<compile_context>
chip_gen: v7x
topology: tpu7x:2x2x1
jax: 0.10.2.dev20260603
libtpu: 0.0.44.dev20260713+nightly
codegen_flags: <defaults>
</compile_context>

<pallas_src>
import functools

import jax
import jax.numpy as jnp
from jax import lax
from jax.experimental import pallas as pl
from jax.experimental.pallas import tpu as pltpu
from jax.experimental.pallas import tpu_sc as plsc

T = 64
D = 768
E = 64
F = 1024

_L = 16
_NW = 32
_TPW = T // _NW


def _take(v, idx):
    return v.at[idx].get(mode="promise_in_bounds")


def _route_sc_body(logits_hbm, gates_hbm, row_v, out_v):
    wid = lax.axis_index("s") * 2 + lax.axis_index("c")
    iota16 = lax.iota(jnp.int32, _L)
    for j in range(_TPW):
        t = wid * _TPW + j
        pltpu.sync_copy(logits_hbm.at[t], row_v)
        cand_k = jnp.full((_L,), -3.0e38, jnp.float32)
        cand_i = jnp.full((_L,), E, jnp.int32)
        for c in range(E // _L):
            v = row_v[pl.ds(c * _L, _L)]
            gi = iota16 + c * _L
            sk, si = plsc.sort_key_val(v, gi, descending=True)
            sel = (iota16 >= 2 * c) & (iota16 < 2 * c + 2)
            sh = jnp.maximum(iota16 - 2 * c, 0)
            cand_k = jnp.where(sel, _take(sk, sh), cand_k)
            cand_i = jnp.where(sel, _take(si, sh), cand_i)
        fk, fi = plsc.sort_key_val(cand_k, cand_i, descending=True)
        zero = jnp.zeros((_L,), jnp.int32)
        m1 = _take(fk, zero)
        m2 = _take(fk, zero + 1)
        i1 = _take(fi, zero)
        i2 = _take(fi, zero + 1)
        d = jnp.exp(m2 - m1)
        w1 = 1.0 / (1.0 + d)
        w2 = d / (1.0 + d)
        for c in range(E // _L):
            gi = iota16 + c * _L
            out_v[pl.ds(c * _L, _L)] = jnp.where(
                gi == i1, w1, jnp.where(gi == i2, w2, 0.0))
        pltpu.sync_copy(out_v, gates_hbm.at[t])


def _route_sc(router_logits):
    mesh = plsc.VectorSubcoreMesh(core_axis_name="c", subcore_axis_name="s")
    return functools.partial(
        pl.kernel, mesh=mesh,
        out_type=jax.ShapeDtypeStruct((T, E), jnp.float32),
        scratch_types=[
            pltpu.VMEM((E,), jnp.float32),
            pltpu.VMEM((E,), jnp.float32),
        ],
        compiler_params=pltpu.CompilerParams(needs_layout_passes=False),
    )(_route_sc_body)(router_logits)


def _moe_body(h_ref, gin_ref, scale_ref, wg_hbm, wu_hbm, wd_hbm, out_ref,
              gates_ref, alist_v, cnt_v, alist_s, cnt_s,
              wg_buf, wu_buf, wd_buf, sems, lsem):
    i = pl.program_id(0)

    def start(eid, slot):
        pltpu.make_async_copy(wg_hbm.at[eid], wg_buf.at[slot],
                              sems.at[slot, 0]).start()
        pltpu.make_async_copy(wu_hbm.at[eid], wu_buf.at[slot],
                              sems.at[slot, 1]).start()
        pltpu.make_async_copy(wd_hbm.at[eid], wd_buf.at[slot],
                              sems.at[slot, 2]).start()

    @pl.when(i == 0)
    def _():
        start(0, 0)
        out_ref[...] = jnp.zeros_like(out_ref)

        g = gin_ref[...] * scale_ref[...]
        gates_ref[...] = g

        cnt = jnp.sum((gin_ref[...] > 0.0).astype(jnp.int32), axis=0)
        iota_e = lax.iota(jnp.int32, E)
        act = (cnt > 0) & (iota_e > 0)
        rowi = lax.broadcasted_iota(jnp.int32, (E, E), 0)
        coli = lax.broadcasted_iota(jnp.int32, (E, E), 1)
        before = (coli < rowi) & act[None, :]
        rank = jnp.sum(before.astype(jnp.int32), axis=1) + 1
        hits = act[None, :] & (rank[None, :] == rowi)
        alist_v[...] = jnp.sum(jnp.where(hits, coli, 0), axis=1).reshape(1, E)
        cnt_v[...] = (jnp.sum(act.astype(jnp.int32)) + 1).reshape(1, 1)
        pltpu.make_async_copy(alist_v, alist_s, lsem.at[0]).start()
        pltpu.make_async_copy(cnt_v, cnt_s, lsem.at[1]).start()
        pltpu.make_async_copy(alist_v, alist_s, lsem.at[0]).wait()
        pltpu.make_async_copy(cnt_v, cnt_s, lsem.at[1]).wait()

    n = cnt_s[0, 0]

    @pl.when(i + 1 < n)
    def _():
        start(alist_s[0, i + 1], jax.lax.rem(i + 1, 2))

    @pl.when(i < n)
    def _():
        slot = jax.lax.rem(i, 2)
        eid = alist_s[0, i]
        pltpu.make_async_copy(wg_hbm.at[eid], wg_buf.at[slot],
                              sems.at[slot, 0]).wait()
        pltpu.make_async_copy(wu_hbm.at[eid], wu_buf.at[slot],
                              sems.at[slot, 1]).wait()
        pltpu.make_async_copy(wd_hbm.at[eid], wd_buf.at[slot],
                              sems.at[slot, 2]).wait()
        h = h_ref[...]
        g = jax.nn.gelu(
            jnp.dot(h, wg_buf[slot], preferred_element_type=jnp.float32))
        u = jnp.dot(h, wu_buf[slot], preferred_element_type=jnp.float32)
        y = jnp.dot(g * u, wd_buf[slot], preferred_element_type=jnp.float32)
        lane = lax.broadcasted_iota(jnp.int32, (T, E), 1)
        gcol = jnp.sum(jnp.where(lane == eid, gates_ref[...], 0.0),
                       axis=1, keepdims=True)
        out_ref[...] += y * gcol


def kernel(hidden_states, router_logits, w_gate, w_up, w_down,
           per_expert_scale):
    gates_raw = _route_sc(router_logits)
    scale2d = per_expert_scale.reshape(1, E)
    return pl.pallas_call(
        _moe_body,
        grid=(E,),
        in_specs=[
            pl.BlockSpec((T, D), lambda i: (0, 0)),
            pl.BlockSpec((T, E), lambda i: (0, 0)),
            pl.BlockSpec((1, E), lambda i: (0, 0)),
            pl.BlockSpec(memory_space=pl.ANY),
            pl.BlockSpec(memory_space=pl.ANY),
            pl.BlockSpec(memory_space=pl.ANY),
        ],
        out_specs=pl.BlockSpec((T, D), lambda i: (0, 0)),
        out_shape=jax.ShapeDtypeStruct((T, D), jnp.float32),
        scratch_shapes=[
            pltpu.VMEM((T, E), jnp.float32),
            pltpu.VMEM((1, E), jnp.int32),
            pltpu.VMEM((1, 1), jnp.int32),
            pltpu.SMEM((1, E), jnp.int32),
            pltpu.SMEM((1, 1), jnp.int32),
            pltpu.VMEM((2, D, F), jnp.float32),
            pltpu.VMEM((2, D, F), jnp.float32),
            pltpu.VMEM((2, F, D), jnp.float32),
            pltpu.SemaphoreType.DMA((2, 3)),
            pltpu.SemaphoreType.DMA((2,)),
        ],
        compiler_params=pltpu.CompilerParams(
            dimension_semantics=("arbitrary",)),
    )(hidden_states, gates_raw, scale2d, w_gate, w_up, w_down)

# --- scband reference (transcript-rebuilt; emitter-appended) ---
"""Pipeline reference for scband-gemma4-mo-e-70248485093993 (READ-ONLY COPY).

The authoritative reference and input builder live on the scoring server;
editing this copy changes nothing except your own understanding.
"""

import jax, jax.numpy as jnp
import numpy as np

T = 64
D = 768
E = 64
K = 2
F = 1024
CAP = T * K  # capacity == total token-slots -> exact dispatch, no token dropping


def setup_inputs(seed: int = 0) -> dict:
    key = jax.random.key(seed)
    ks = jax.random.split(key, 5)
    hidden_states = jax.random.normal(ks[0], (T, D), dtype=jnp.float32)
    router_logits = jax.random.normal(ks[1], (T, E), dtype=jnp.float32)
    w_gate = jax.random.normal(ks[2], (E, D, F), dtype=jnp.float32) * 0.02
    w_up = jax.random.normal(ks[3], (E, D, F), dtype=jnp.float32) * 0.02
    w_down = jax.random.normal(ks[4], (E, F, D), dtype=jnp.float32) * 0.02
    per_expert_scale = jnp.ones((E,), dtype=jnp.float32)
    return {"hidden_states": hidden_states, "router_logits": router_logits,
            "w_gate": w_gate, "w_up": w_up, "w_down": w_down,
            "per_expert_scale": per_expert_scale}


def reference(hidden_states, router_logits, w_gate, w_up, w_down, per_expert_scale):
    Tn, Dn = hidden_states.shape
    En = router_logits.shape[-1]
    # --- Gemma4 custom routing: top-k over raw logits, softmax over ALL experts,
    # renormalize over the selected experts, fold in per_expert_scale ---
    _, topk_ids = jax.lax.top_k(router_logits, K)
    probs = jax.nn.softmax(router_logits, axis=-1)
    indicator = jax.nn.one_hot(topk_ids, En, dtype=probs.dtype).sum(axis=-2)
    gate_weights = indicator * probs
    renorm = jnp.sum(gate_weights, axis=-1, keepdims=True)
    renorm = jnp.where(renorm > 0.0, renorm, jnp.ones_like(renorm))
    dispatch = gate_weights / renorm
    topk_weights = jnp.take_along_axis(dispatch, topk_ids, axis=1)
    topk_weights = (topk_weights * per_expert_scale[topk_ids]).astype(jnp.float32)
    # --- expert dispatch via scatter into [E, CAP, D] buffers (fused-MoE style) ---
    flat_expert = topk_ids.reshape(-1)                      # [T*K] int
    flat_w = topk_weights.reshape(-1)                       # [T*K] f32
    token_idx = jnp.repeat(jnp.arange(Tn), K)               # [T*K]
    oh = jax.nn.one_hot(flat_expert, En, dtype=jnp.int32)
    pos = jnp.sum(jnp.cumsum(oh, axis=0) * oh, axis=-1) - 1  # slot within expert
    buf = jnp.zeros((En, CAP, Dn), jnp.float32).at[flat_expert, pos].add(hidden_states[token_idx])
    # --- gated-GELU expert MLP, batched over experts ---
    g = jax.nn.gelu(jnp.einsum('ecd,edf->ecf', buf, w_gate))
    u = jnp.einsum('ecd,edf->ecf', buf, w_up)
    out_buf = jnp.einsum('ecf,efd->ecd', g * u, w_down)
    # --- combine: gather back + weight + scatter-add over the K slots ---
    y = out_buf[flat_expert, pos] * flat_w[:, None]
    out = jnp.zeros((Tn, Dn), jnp.float32).at[token_idx].add(y)
    return out

if __name__ == "__main__":
    import jax
    _d = setup_inputs()
    print(jax.jit(kernel)(*tuple(_d.values())))

</pallas_src>

<mosaic_0001>
#map = affine_map<(d0, d1) -> (0, 0)>
module attributes {stable_mosaic.version = 14 : i64} {
  func.func @_route_sc_body(%arg0: i32, %arg1: i32, %arg2: memref<64x64xf32, #tpu.memory_space<hbm>>, %arg3: memref<64x64xf32, #tpu.memory_space<hbm>>, %arg4: memref<64xf32, #tpu.memory_space<vmem>>, %arg5: memref<64xf32, #tpu.memory_space<vmem>>) attributes {dimension_semantics = [#tpu.dimension_semantics<core_parallel>, #tpu.dimension_semantics<subcore_parallel>], iteration_bounds = array<i64: 2, 16>, scalar_prefetch = 0 : i64, scratch_operands = 2 : i64, tpu.core_type = #tpu.core_type<sc_vector_subcore>, window_params = [{transform_indices = #map}, {transform_indices = #map}]} {
    %mul3A = arith.constant 2 : i32
    %mul3A_0 = arith.muli %arg1, %mul3A : i32
    %add3A = arith.addi %mul3A_0, %arg0 : i32
    %iota3A = tpu.iota {dimensions = array<i32: 0>} : vector<16xi32>
    %mul3A_1 = arith.constant 2 : i32
    %mul3A_2 = arith.muli %add3A, %mul3A_1 : i32
    %add3A_3 = arith.constant 0 : i32
    %add3A_4 = arith.addi %mul3A_2, %add3A_3 : i32
    "tpu.region"() ({
      %run_scoped3A = tpu.sem_alloc : memref<!tpu.dma_semaphore, #tpu.memory_space<semaphore_mem>>
      %dma_start3A = arith.constant 0 : i32
      %dma_start3A_570 = tpu.memref_slice %arg2[%add3A_4, %dma_start3A] : memref<64x64xf32, #tpu.memory_space<hbm>> -> memref<1x64xf32, #tpu.memory_space<hbm>>
      %dma_start3A_571 = tpu.memref_squeeze %dma_start3A_570 : memref<1x64xf32, #tpu.memory_space<hbm>> -> memref<64xf32, #tpu.memory_space<hbm>>
      %dma_start3A_572 = arith.constant 0 : i32
      %dma_start3A_573 = tpu.memref_slice %arg2[%add3A_4, %dma_start3A_572] : memref<64x64xf32, #tpu.memory_space<hbm>> -> memref<1x64xf32, #tpu.memory_space<hbm>>
      %dma_start3A_574 = tpu.memref_squeeze %dma_start3A_573 : memref<1x64xf32, #tpu.memory_space<hbm>> -> memref<64xf32, #tpu.memory_space<hbm>>
      tpu.enqueue_dma source(%dma_start3A_574 : memref<64xf32, #tpu.memory_space<hbm>>) target(%arg4 : memref<64xf32, #tpu.memory_space<vmem>>) target_semaphore(%run_scoped3A : memref<!tpu.dma_semaphore, #tpu.memory_space<semaphore_mem>>)
      %dma_wait3A = arith.constant 0 : i32
      %dma_wait3A_575 = tpu.memref_slice %arg2[%add3A_4, %dma_wait3A] : memref<64x64xf32, #tpu.memory_space<hbm>> -> memref<1x64xf32, #tpu.memory_space<hbm>>
      %dma_wait3A_576 = tpu.memref_squeeze %dma_wait3A_575 : memref<1x64xf32, #tpu.memory_space<hbm>> -> memref<64xf32, #tpu.memory_space<hbm>>
      %dma_wait3A_577 = arith.constant 0 : i32
      %dma_wait3A_578 = tpu.memref_slice %arg2[%add3A_4, %dma_wait3A_577] : memref<64x64xf32, #tpu.memory_space<hbm>> -> memref<1x64xf32, #tpu.memory_space<hbm>>
      %dma_wait3A_579 = tpu.memref_squeeze %dma_wait3A_578 : memref<1x64xf32, #tpu.memory_space<hbm>> -> memref<64xf32, #tpu.memory_space<hbm>>
      tpu.wait_dma2 semaphore(%run_scoped3A : memref<!tpu.dma_semaphore, #tpu.memory_space<semaphore_mem>>) src(%dma_wait3A_579 : memref<64xf32, #tpu.memory_space<hbm>>) dst(%arg4 : memref<64xf32, #tpu.memory_space<vmem>>)
      tpu.yield
    }) : () -> ()
    %broadcast_in_dim3A = arith.constant -3.000000e+38 : f32
    %broadcast_in_dim3A_5 = vector.broadcast %broadcast_in_dim3A : f32 to vector<16xf32>
    %broadcast_in_dim3A_6 = arith.constant 64 : i32
    %broadcast_in_dim3A_7 = vector.broadcast %broadcast_in_dim3A_6 : i32 to vector<16xi32>
    %get3A = arith.constant 0 : index
    %get3A_8 = tpu.vector_load %arg4[%get3A] {strides = array<i32>} : memref<64xf32, #tpu.memory_space<vmem>>, vector<16xf32>,
    %add3A_9 = arith.constant 0 : i32
    %add3A_10 = vector.broadcast %add3A_9 : i32 to vector<16xi32>
    %add3A_11 = arith.addi %iota3A, %add3A_10 : vector<16xi32>
    %masked_sort3A = arith.constant dense<true> : vector<16xi1>
    %masked_sort3A_12, %masked_sort3A_13, %masked_sort3A_14 = tpu.sort %get3A_8, %add3A_11 masked %masked_sort3A {descending = true} : (vector<16xf32>, vector<16xi32>, vector<16xi1>) -> (vector<16xi1>, vector<16xf32>, vector<16xi32>)
    %ge3A = arith.constant 0 : i32
    %ge3A_15 = vector.broadcast %ge3A : i32 to vector<16xi32>
    %ge3A_16 = arith.cmpi sge, %iota3A, %ge3A_15 : vector<16xi32>
    %lt3A = arith.constant 2 : i32
    %lt3A_17 = vector.broadcast %lt3A : i32 to vector<16xi32>
    %lt3A_18 = arith.cmpi slt, %iota3A, %lt3A_17 : vector<16xi32>
    %and3A = arith.andi %ge3A_16, %lt3A_18 : vector<16xi1>
    %sub3A = arith.constant 0 : i32
    %sub3A_19 = vector.broadcast %sub3A : i32 to vector<16xi32>
    %sub3A_20 = arith.subi %iota3A, %sub3A_19 : vector<16xi32>
    %max3A = arith.constant 0 : i32
    %max3A_21 = vector.broadcast %max3A : i32 to vector<16xi32>
    %max3A_22 = arith.maxsi %sub3A_20, %max3A_21 : vector<16xi32>
    %lt3A_23 = arith.constant 0 : i32
    %lt3A_24 = vector.broadcast %lt3A_23 : i32 to vector<16xi32>
    %lt3A_25 = arith.cmpi slt, %max3A_22, %lt3A_24 : vector<16xi32>
    %add3A_26 = arith.constant 16 : i32
    %add3A_27 = vector.broadcast %add3A_26 : i32 to vector<16xi32>
    %add3A_28 = arith.addi %max3A_22, %add3A_27 : vector<16xi32>
    %select_n3A = arith.select %lt3A_25, %add3A_28, %max3A_22 : vector<16xi1>, vector<16xi32>
    %broadcast_in_dim3A_29 = vector.shape_cast %select_n3A : vector<16xi32> to vector<16x1xi32>
    %gather3A = vector.shape_cast %broadcast_in_dim3A_29 : vector<16x1xi32> to vector<16xi32>
    %gather3A_30 = tpu.dynamic_gather %masked_sort3A_13[%gather3A] in [0] : vector<16xf32>, vector<16xi32> -> vector<16xf32>
    %select_n3A_31 = arith.select %and3A, %gather3A_30, %broadcast_in_dim3A_5 : vector<16xi1>, vector<16xf32>
    %lt3A_32 = arith.constant 0 : i32
    %lt3A_33 = vector.broadcast %lt3A_32 : i32 to vector<16xi32>
    %lt3A_34 = arith.cmpi slt, %max3A_22, %lt3A_33 : vector<16xi32>
    %add3A_35 = arith.constant 16 : i32
    %add3A_36 = vector.broadcast %add3A_35 : i32 to vector<16xi32>
    %add3A_37 = arith.addi %max3A_22, %add3A_36 : vector<16xi32>
    %select_n3A_38 = arith.select %lt3A_34, %add3A_37, %max3A_22 : vector<16xi1>, vector<16xi32>
    %broadcast_in_dim3A_39 = vector.shape_cast %select_n3A_38 : vector<16xi32> to vector<16x1xi32>
    %gather3A_40 = vector.shape_cast %broadcast_in_dim3A_39 : vector<16x1xi32> to vector<16xi32>
    %gather3A_41 = tpu.dynamic_gather %masked_sort3A_14[%gather3A_40] in [0] : vector<16xi32>, vector<16xi32> -> vector<16xi32>
    %select_n3A_42 = arith.select %and3A, %gather3A_41, %broadcast_in_dim3A_7 : vector<16xi1>, vector<16xi32>
    %get3A_43 = arith.constant 16 : index
    %get3A_44 = tpu.vector_load %arg4[%get3A_43] {strides = array<i32>} : memref<64xf32, #tpu.memory_space<vmem>>, vector<16xf32>,
    %add3A_45 = arith.constant 16 : i32
    %add3A_46 = vector.broadcast %add3A_45 : i32 to vector<16xi32>
    %add3A_47 = arith.addi %iota3A, %add3A_46 : vector<16xi32>
    %masked_sort3A_48 = arith.constant dense<true> : vector<16xi1>
    %masked_sort3A_49, %masked_sort3A_50, %masked_sort3A_51 = tpu.sort %get3A_44, %add3A_47 masked %masked_sort3A_48 {descending = true} : (vector<16xf32>, vector<16xi32>, vector<16xi1>) -> (vector<16xi1>, vector<16xf32>, vector<16xi32>)
    %ge3A_52 = arith.constant 2 : i32
    %ge3A_53 = vector.broadcast %ge3A_52 : i32 to vector<16xi32>
    %ge3A_54 = arith.cmpi sge, %iota3A, %ge3A_53 : vector<16xi32>
    %lt3A_55 = arith.constant 4 : i32
    %lt3A_56 = vector.broadcast %lt3A_55 : i32 to vector<16xi32>
    %lt3A_57 = arith.cmpi slt, %iota3A, %lt3A_56 : vector<16xi32>
    %and3A_58 = arith.andi %ge3A_54, %lt3A_57 : vector<16xi1>
    %sub3A_59 = arith.constant 2 : i32
    %sub3A_60 = vector.broadcast %sub3A_59 : i32 to vector<16xi32>
    %sub3A_61 = arith.subi %iota3A, %sub3A_60 : vector<16xi32>
    %max3A_62 = arith.constant 0 : i32
    %max3A_63 = vector.broadcast %max3A_62 : i32 to vector<16xi32>
    %max3A_64 = arith.maxsi %sub3A_61, %max3A_63 : vector<16xi32>
    %lt3A_65 = arith.constant 0 : i32
    %lt3A_66 = vector.broadcast %lt3A_65 : i32 to vector<16xi32>
    %lt3A_67 = arith.cmpi slt, %max3A_64, %lt3A_66 : vector<16xi32>
    %add3A_68 = arith.constant 16 : i32
    %add3A_69 = vector.broadcast %add3A_68 : i32 to vector<16xi32>
    %add3A_70 = arith.addi %max3A_64, %add3A_69 : vector<16xi32>
    %select_n3A_71 = arith.select %lt3A_67, %add3A_70, %max3A_64 : vector<16xi1>, vector<16xi32>
    %broadcast_in_dim3A_72 = vector.shape_cast %select_n3A_71 : vector<16xi32> to vector<16x1xi32>
    %gather3A_73 = vector.shape_cast %broadcast_in_dim3A_72 : vector<16x1xi32> to vector<16xi32>
    %gather3A_74 = tpu.dynamic_gather %masked_sort3A_50[%gather3A_73] in [0] : vector<16xf32>, vector<16xi32> -> vector<16xf32>
    %select_n3A_75 = arith.select %and3A_58, %gather3A_74, %select_n3A_31 : vector<16xi1>, vector<16xf32>
    %lt3A_76 = arith.constant 0 : i32
    %lt3A_77 = vector.broadcast %lt3A_76 : i32 to vector<16xi32>
    %lt3A_78 = arith.cmpi slt, %max3A_64, %lt3A_77 : vector<16xi32>
    %add3A_79 = arith.constant 16 : i32
    %add3A_80 = vector.broadcast %add3A_79 : i32 to vector<16xi32>
    %add3A_81 = arith.addi %max3A_64, %add3A_80 : vector<16xi32>
    %select_n3A_82 = arith.select %lt3A_78, %add3A_81, %max3A_64 : vector<16xi1>, vector<16xi32>
    %broadcast_in_dim3A_83 = vector.shape_cast %select_n3A_82 : vector<16xi32> to vector<16x1xi32>
    %gather3A_84 = vector.shape_cast %broadcast_in_dim3A_83 : vector<16x1xi32> to vector<16xi32>
    %gather3A_85 = tpu.dynamic_gather %masked_sort3A_51[%gather3A_84] in [0] : vector<16xi32>, vector<16xi32> -> vector<16xi32>
    %select_n3A_86 = arith.select %and3A_58, %gather3A_85, %select_n3A_42 : vector<16xi1>, vector<16xi32>
    %get3A_87 = arith.constant 32 : index
    %get3A_88 = tpu.vector_load %arg4[%get3A_87] {strides = array<i32>} : memref<64xf32, #tpu.memory_space<vmem>>, vector<16xf32>,
    %add3A_89 = arith.constant 32 : i32
    %add3A_90 = vector.broadcast %add3A_89 : i32 to vector<16xi32>
    %add3A_91 = arith.addi %iota3A, %add3A_90 : vector<16xi32>
    %masked_sort3A_92 = arith.constant dense<true> : vector<16xi1>
    %masked_sort3A_93, %masked_sort3A_94, %masked_sort3A_95 = tpu.sort %get3A_88, %add3A_91 masked %masked_sort3A_92 {descending = true} : (vector<16xf32>, vector<16xi32>, vector<16xi1>) -> (vector<16xi1>, vector<16xf32>, vector<16xi32>)
    %ge3A_96 = arith.constant 4 : i32
    %ge3A_97 = vector.broadcast %ge3A_96 : i32 to vector<16xi32>
    %ge3A_98 = arith.cmpi sge, %iota3A, %ge3A_97 : vector<16xi32>
    %lt3A_99 = arith.constant 6 : i32
    %lt3A_100 = vector.broadcast %lt3A_99 : i32 to vector<16xi32>
    %lt3A_101 = arith.cmpi slt, %iota3A, %lt3A_100 : vector<16xi32>
    %and3A_102 = arith.andi %ge3A_98, %lt3A_101 : vector<16xi1>
    %sub3A_103 = arith.constant 4 : i32
    %sub3A_104 = vector.broadcast %sub3A_103 : i32 to vector<16xi32>
    %sub3A_105 = arith.subi %iota3A, %sub3A_104 : vector<16xi32>
    %max3A_106 = arith.constant 0 : i32
    %max3A_107 = vector.broadcast %max3A_106 : i32 to vector<16xi32>
    %max3A_108 = arith.maxsi %sub3A_105, %max3A_107 : vector<16xi32>
    %lt3A_109 = arith.constant 0 : i32
    %lt3A_110 = vector.broadcast %lt3A_109 : i32 to vector<16xi32>
    %lt3A_111 = arith.cmpi slt, %max3A_108, %lt3A_110 : vector<16xi32>
    %add3A_112 = arith.constant 16 : i32
    %add3A_113 = vector.broadcast %add3A_112 : i32 to vector<16xi32>
    %add3A_114 = arith.addi %max3A_108, %add3A_113 : vector<16xi32>
    %select_n3A_115 = arith.select %lt3A_111, %add3A_114, %max3A_108 : vector<16xi1>, vector<16xi32>
    %broadcast_in_dim3A_116 = vector.shape_cast %select_n3A_115 : vector<16xi32> to vector<16x1xi32>
    %gather3A_117 = vector.shape_cast %broadcast_in_dim3A_116 : vector<16x1xi32> to vector<16xi32>
    %gather3A_118 = tpu.dynamic_gather %masked_sort3A_94[%gather3A_117] in [0] : vector<16xf32>, vector<16xi32> -> vector<16xf32>
    %select_n3A_119 = arith.select %and3A_102, %gather3A_118, %select_n3A_75 : vector<16xi1>, vector<16xf32>
    %lt3A_120 = arith.constant 0 : i32
    %lt3A_121 = vector.broadcast %lt3A_120 : i32 to vector<16xi32>
    %lt3A_122 = arith.cmpi slt, %max3A_108, %lt3A_121 : vector<16xi32>
    %add3A_123 = arith.constant 16 : i32
    %add3A_124 = vector.broadcast %add3A_123 : i32 to vector<16xi32>
    %add3A_125 = arith.addi %max3A_108, %add3A_124 : vector<16xi32>
    %select_n3A_126 = arith.select %lt3A_122, %add3A_125, %max3A_108 : vector<16xi1>, vector<16xi32>
    %broadcast_in_dim3A_127 = vector.shape_cast %select_n3A_126 : vector<16xi32> to vector<16x1xi32>
    %gather3A_128 = vector.shape_cast %broadcast_in_dim3A_127 : vector<16x1xi32> to vector<16xi32>
    %gather3A_129 = tpu.dynamic_gather %masked_sort3A_95[%gather3A_128] in [0] : vector<16xi32>, vector<16xi32> -> vector<16xi32>
    %select_n3A_130 = arith.select %and3A_102, %gather3A_129, %select_n3A_86 : vector<16xi1>, vector<16xi32>
    %get3A_131 = arith.constant 48 : index
    %get3A_132 = tpu.vector_load %arg4[%get3A_131] {strides = array<i32>} : memref<64xf32, #tpu.memory_space<vmem>>, vector<16xf32>,
    %add3A_133 = arith.constant 48 : i32
    %add3A_134 = vector.broadcast %add3A_133 : i32 to vector<16xi32>
    %add3A_135 = arith.addi %iota3A, %add3A_134 : vector<16xi32>
    %masked_sort3A_136 = arith.constant dense<true> : vector<16xi1>
    %masked_sort3A_137, %masked_sort3A_138, %masked_sort3A_139 = tpu.sort %get3A_132, %add3A_135 masked %masked_sort3A_136 {descending = true} : (vector<16xf32>, vector<16xi32>, vector<16xi1>) -> (vector<16xi1>, vector<16xf32>, vector<16xi32>)
    %ge3A_140 = arith.constant 6 : i32
    %ge3A_141 = vector.broadcast %ge3A_140 : i32 to vector<16xi32>
    %ge3A_142 = arith.cmpi sge, %iota3A, %ge3A_141 : vector<16xi32>
    %lt3A_143 = arith.constant 8 : i32
    %lt3A_144 = vector.broadcast %lt3A_143 : i32 to vector<16xi32>
    %lt3A_145 = arith.cmpi slt, %iota3A, %lt3A_144 : vector<16xi32>
    %and3A_146 = arith.andi %ge3A_142, %lt3A_145 : vector<16xi1>
    %sub3A_147 = arith.constant 6 : i32
    %sub3A_148 = vector.broadcast %sub3A_147 : i32 to vector<16xi32>
    %sub3A_149 = arith.subi %iota3A, %sub3A_148 : vector<16xi32>
    %max3A_150 = arith.constant 0 : i32
    %max3A_151 = vector.broadcast %max3A_150 : i32 to vector<16xi32>
    %max3A_152 = arith.maxsi %sub3A_149, %max3A_151 : vector<16xi32>
    %lt3A_153 = arith.constant 0 : i32
    %lt3A_154 = vector.broadcast %lt3A_153 : i32 to vector<16xi32>
    %lt3A_155 = arith.cmpi slt, %max3A_152, %lt3A_154 : vector<16xi32>
    %add3A_156 = arith.constant 16 : i32
    %add3A_157 = vector.broadcast %add3A_156 : i32 to vector<16xi32>
    %add3A_158 = arith.addi %max3A_152, %add3A_157 : vector<16xi32>
    %select_n3A_159 = arith.select %lt3A_155, %add3A_158, %max3A_152 : vector<16xi1>, vector<16xi32>
    %broadcast_in_dim3A_160 = vector.shape_cast %select_n3A_159 : vector<16xi32> to vector<16x1xi32>
    %gather3A_161 = vector.shape_cast %broadcast_in_dim3A_160 : vector<16x1xi32> to vector<16xi32>
    %gather3A_162 = tpu.dynamic_gather %masked_sort3A_138[%gather3A_161] in [0] : vector<16xf32>, vector<16xi32> -> vector<16xf32>
    %select_n3A_163 = arith.select %and3A_146, %gather3A_162, %select_n3A_119 : vector<16xi1>, vector<16xf32>
    %lt3A_164 = arith.constant 0 : i32
    %lt3A_165 = vector.broadcast %lt3A_164 : i32 to vector<16xi32>
    %lt3A_166 = arith.cmpi slt, %max3A_152, %lt3A_165 : vector<16xi32>
    %add3A_167 = arith.constant 16 : i32
    %add3A_168 = vector.broadcast %add3A_167 : i32 to vector<16xi32>
    %add3A_169 = arith.addi %max3A_152, %add3A_168 : vector<16xi32>
    %select_n3A_170 = arith.select %lt3A_166, %add3A_169, %max3A_152 : vector<16xi1>, vector<16xi32>
    %broadcast_in_dim3A_171 = vector.shape_cast %select_n3A_170 : vector<16xi32> to vector<16x1xi32>
    %gather3A_172 = vector.shape_cast %broadcast_in_dim3A_171 : vector<16x1xi32> to vector<16xi32>
    %gather3A_173 = tpu.dynamic_gather %masked_sort3A_139[%gather3A_172] in [0] : vector<16xi32>, vector<16xi32> -> vector<16xi32>
    %select_n3A_174 = arith.select %and3A_146, %gather3A_173, %select_n3A_130 : vector<16xi1>, vector<16xi32>
    %masked_sort3A_175 = arith.constant dense<true> : vector<16xi1>
    %masked_sort3A_176, %masked_sort3A_177, %masked_sort3A_178 = tpu.sort %select_n3A_163, %select_n3A_174 masked %masked_sort3A_175 {descending = true} : (vector<16xf32>, vector<16xi32>, vector<16xi1>) -> (vector<16xi1>, vector<16xf32>, vector<16xi32>)
    %broadcast_in_dim3A_179 = arith.constant 0 : i32
    %broadcast_in_dim3A_180 = vector.broadcast %broadcast_in_dim3A_179 : i32 to vector<16xi32>
    %lt3A_181 = arith.constant 0 : i32
    %lt3A_182 = vector.broadcast %lt3A_181 : i32 to vector<16xi32>
    %lt3A_183 = arith.cmpi slt, %broadcast_in_dim3A_180, %lt3A_182 : vector<16xi32>
    %add3A_184 = arith.constant 16 : i32
    %add3A_185 = vector.broadcast %add3A_184 : i32 to vector<16xi32>
    %add3A_186 = arith.addi %broadcast_in_dim3A_180, %add3A_185 : vector<16xi32>
    %select_n3A_187 = arith.select %lt3A_183, %add3A_186, %broadcast_in_dim3A_180 : vector<16xi1>, vector<16xi32>
    %broadcast_in_dim3A_188 = vector.shape_cast %select_n3A_187 : vector<16xi32> to vector<16x1xi32>
    %gather3A_189 = vector.shape_cast %broadcast_in_dim3A_188 : vector<16x1xi32> to vector<16xi32>
    %gather3A_190 = tpu.dynamic_gather %masked_sort3A_177[%gather3A_189] in [0] : vector<16xf32>, vector<16xi32> -> vector<16xf32>
    %add3A_191 = arith.constant 1 : i32
    %add3A_192 = vector.broadcast %add3A_191 : i32 to vector<16xi32>
    %add3A_193 = arith.addi %broadcast_in_dim3A_180, %add3A_192 : vector<16xi32>
    %lt3A_194 = arith.constant 0 : i32
    %lt3A_195 = vector.broadcast %lt3A_194 : i32 to vector<16xi32>
    %lt3A_196 = arith.cmpi slt, %add3A_193, %lt3A_195 : vector<16xi32>
    %add3A_197 = arith.constant 16 : i32
    %add3A_198 = vector.broadcast %add3A_197 : i32 to vector<16xi32>
    %add3A_199 = arith.addi %add3A_193, %add3A_198 : vector<16xi32>
    %select_n3A_200 = arith.select %lt3A_196, %add3A_199, %add3A_193 : vector<16xi1>, vector<16xi32>
    %broadcast_in_dim3A_201 = vector.shape_cast %select_n3A_200 : vector<16xi32> to vector<16x1xi32>
    %gather3A_202 = vector.shape_cast %broadcast_in_dim3A_201 : vector<16x1xi32> to vector<16xi32>
    %gather3A_203 = tpu.dynamic_gather %masked_sort3A_177[%gather3A_202] in [0] : vector<16xf32>, vector<16xi32> -> vector<16xf32>
    %lt3A_204 = arith.constant 0 : i32
    %lt3A_205 = vector.broadcast %lt3A_204 : i32 to vector<16xi32>
    %lt3A_206 = arith.cmpi slt, %broadcast_in_dim3A_180, %lt3A_205 : vector<16xi32>
    %add3A_207 = arith.constant 16 : i32
    %add3A_208 = vector.broadcast %add3A_207 : i32 to vector<16xi32>
    %add3A_209 = arith.addi %broadcast_in_dim3A_180, %add3A_208 : vector<16xi32>
    %select_n3A_210 = arith.select %lt3A_206, %add3A_209, %broadcast_in_dim3A_180 : vector<16xi1>, vector<16xi32>
    %broadcast_in_dim3A_211 = vector.shape_cast %select_n3A_210 : vector<16xi32> to vector<16x1xi32>
    %gather3A_212 = vector.shape_cast %broadcast_in_dim3A_211 : vector<16x1xi32> to vector<16xi32>
    %gather3A_213 = tpu.dynamic_gather %masked_sort3A_178[%gather3A_212] in [0] : vector<16xi32>, vector<16xi32> -> vector<16xi32>
    %add3A_214 = arith.constant 1 : i32
    %add3A_215 = vector.broadcast %add3A_214 : i32 to vector<16xi32>
    %add3A_216 = arith.addi %broadcast_in_dim3A_180, %add3A_215 : vector<16xi32>
    %lt3A_217 = arith.constant 0 : i32
    %lt3A_218 = vector.broadcast %lt3A_217 : i32 to vector<16xi32>
    %lt3A_219 = arith.cmpi slt, %add3A_216, %lt3A_218 : vector<16xi32>
    %add3A_220 = arith.constant 16 : i32
    %add3A_221 = vector.broadcast %add3A_220 : i32 to vector<16xi32>
    %add3A_222 = arith.addi %add3A_216, %add3A_221 : vector<16xi32>
    %select_n3A_223 = arith.select %lt3A_219, %add3A_222, %add3A_216 : vector<16xi1>, vector<16xi32>
    %broadcast_in_dim3A_224 = vector.shape_cast %select_n3A_223 : vector<16xi32> to vector<16x1xi32>
    %gather3A_225 = vector.shape_cast %broadcast_in_dim3A_224 : vector<16x1xi32> to vector<16xi32>
    %gather3A_226 = tpu.dynamic_gather %masked_sort3A_178[%gather3A_225] in [0] : vector<16xi32>, vector<16xi32> -> vector<16xi32>
    %sub3A_227 = arith.subf %gather3A_203, %gather3A_190 : vector<16xf32>
    %exp3A = math.exp %sub3A_227 : vector<16xf32>
    %add3A_228 = arith.constant 1.000000e+00 : f32
    %add3A_229 = vector.broadcast %add3A_228 : f32 to vector<16xf32>
    %add3A_230 = arith.addf %add3A_229, %exp3A : vector<16xf32>
    %div3A = arith.constant 1.000000e+00 : f32
    %div3A_231 = vector.broadcast %div3A : f32 to vector<16xf32>
    %div3A_232 = arith.divf %div3A_231, %add3A_230 : vector<16xf32>
    %add3A_233 = arith.constant 1.000000e+00 : f32
    %add3A_234 = vector.broadcast %add3A_233 : f32 to vector<16xf32>
    %add3A_235 = arith.addf %add3A_234, %exp3A : vector<16xf32>
    %div3A_236 = arith.divf %exp3A, %add3A_235 : vector<16xf32>
    %add3A_237 = arith.constant 0 : i32
    %add3A_238 = vector.broadcast %add3A_237 : i32 to vector<16xi32>
    %add3A_239 = arith.addi %iota3A, %add3A_238 : vector<16xi32>
    %eq3A = arith.cmpi eq, %add3A_239, %gather3A_213 : vector<16xi32>
    %eq3A_240 = arith.cmpi eq, %add3A_239, %gather3A_226 : vector<16xi32>
    %jit3A = arith.constant 0.000000e+00 : f32
    %broadcast_in_dim3A_241 = vector.broadcast %jit3A : f32 to vector<16xf32>
    %select_n3A_242 = arith.select %eq3A_240, %div3A_236, %broadcast_in_dim3A_241 : vector<16xi1>, vector<16xf32>
    %select_n3A_243 = arith.select %eq3A, %div3A_232, %select_n3A_242 : vector<16xi1>, vector<16xf32>
    %swap3A = arith.constant 0 : index
    %swap3A_244 = tpu.vector_load %arg5[%swap3A] {strides = array<i32>} : memref<64xf32, #tpu.memory_space<vmem>>, vector<16xf32>,
    tpu.vector_store %arg5[%swap3A], %select_n3A_243 {strides = array<i32>} : memref<64xf32, #tpu.memory_space<vmem>>, vector<16xf32>,
    %add3A_245 = arith.constant 16 : i32
    %add3A_246 = vector.broadcast %add3A_245 : i32 to vector<16xi32>
    %add3A_247 = arith.addi %iota3A, %add3A_246 : vector<16xi32>
    %eq3A_248 = arith.cmpi eq, %add3A_247, %gather3A_213 : vector<16xi32>
    %eq3A_249 = arith.cmpi eq, %add3A_247, %gather3A_226 : vector<16xi32>
    %jit3A_250 = arith.constant 0.000000e+00 : f32
    %broadcast_in_dim3A_251 = vector.broadcast %jit3A_250 : f32 to vector<16xf32>
    %select_n3A_252 = arith.select %eq3A_249, %div3A_236, %broadcast_in_dim3A_251 : vector<16xi1>, vector<16xf32>
    %select_n3A_253 = arith.select %eq3A_248, %div3A_232, %select_n3A_252 : vector<16xi1>, vector<16xf32>
    %swap3A_254 = arith.constant 16 : index
    %swap3A_255 = tpu.vector_load %arg5[%swap3A_254] {strides = array<i32>} : memref<64xf32, #tpu.memory_space<vmem>>, vector<16xf32>,
    tpu.vector_store %arg5[%swap3A_254], %select_n3A_253 {strides = array<i32>} : memref<64xf32, #tpu.memory_space<vmem>>, vector<16xf32>,
    %add3A_256 = arith.constant 32 : i32
    %add3A_257 = vector.broadcast %add3A_256 : i32 to vector<16xi32>
    %add3A_258 = arith.addi %iota3A, %add3A_257 : vector<16xi32>
    %eq3A_259 = arith.cmpi eq, %add3A_258, %gather3A_213 : vector<16xi32>
    %eq3A_260 = arith.cmpi eq, %add3A_258, %gather3A_226 : vector<16xi32>
    %jit3A_261 = arith.constant 0.000000e+00 : f32
    %broadcast_in_dim3A_262 = vector.broadcast %jit3A_261 : f32 to vector<16xf32>
    %select_n3A_263 = arith.select %eq3A_260, %div3A_236, %broadcast_in_dim3A_262 : vector<16xi1>, vector<16xf32>
    %select_n3A_264 = arith.select %eq3A_259, %div3A_232, %select_n3A_263 : vector<16xi1>, vector<16xf32>
    %swap3A_265 = arith.constant 32 : index
    %swap3A_266 = tpu.vector_load %arg5[%swap3A_265] {strides = array<i32>} : memref<64xf32, #tpu.memory_space<vmem>>, vector<16xf32>,
    tpu.vector_store %arg5[%swap3A_265], %select_n3A_264 {strides = array<i32>} : memref<64xf32, #tpu.memory_space<vmem>>, vector<16xf32>,
    %add3A_267 = arith.constant 48 : i32
    %add3A_268 = vector.broadcast %add3A_267 : i32 to vector<16xi32>
    %add3A_269 = arith.addi %iota3A, %add3A_268 : vector<16xi32>
    %eq3A_270 = arith.cmpi eq, %add3A_269, %gather3A_213 : vector<16xi32>
    %eq3A_271 = arith.cmpi eq, %add3A_269, %gather3A_226 : vector<16xi32>
    %jit3A_272 = arith.constant 0.000000e+00 : f32
    %broadcast_in_dim3A_273 = vector.broadcast %jit3A_272 : f32 to vector<16xf32>
    %select_n3A_274 = arith.select %eq3A_271, %div3A_236, %broadcast_in_dim3A_273 : vector<16xi1>, vector<16xf32>
    %select_n3A_275 = arith.select %eq3A_270, %div3A_232, %select_n3A_274 : vector<16xi1>, vector<16xf32>
    %swap3A_276 = arith.constant 48 : index
    %swap3A_277 = tpu.vector_load %arg5[%swap3A_276] {strides = array<i32>} : memref<64xf32, #tpu.memory_space<vmem>>, vector<16xf32>,
    tpu.vector_store %arg5[%swap3A_276], %select_n3A_275 {strides = array<i32>} : memref<64xf32, #tpu.memory_space<vmem>>, vector<16xf32>,
    "tpu.region"() ({
      %run_scoped3A = tpu.sem_alloc : memref<!tpu.dma_semaphore, #tpu.memory_space<semaphore_mem>>
      %dma_start3A = arith.constant 0 : i32
      %dma_start3A_570 = tpu.memref_slice %arg3[%add3A_4, %dma_start3A] : memref<64x64xf32, #tpu.memory_space<hbm>> -> memref<1x64xf32, #tpu.memory_space<hbm>>
      %dma_start3A_571 = tpu.memref_squeeze %dma_start3A_570 : memref<1x64xf32, #tpu.memory_space<hbm>> -> memref<64xf32, #tpu.memory_space<hbm>>
      %dma_start3A_572 = arith.constant 0 : i32
      %dma_start3A_573 = tpu.memref_slice %arg3[%add3A_4, %dma_start3A_572] : memref<64x64xf32, #tpu.memory_space<hbm>> -> memref<1x64xf32, #tpu.memory_space<hbm>>
      %dma_start3A_574 = tpu.memref_squeeze %dma_start3A_573 : memref<1x64xf32, #tpu.memory_space<hbm>> -> memref<64xf32, #tpu.memory_space<hbm>>
      tpu.enqueue_dma source(%arg5 : memref<64xf32, #tpu.memory_space<vmem>>) target(%dma_start3A_574 : memref<64xf32, #tpu.memory_space<hbm>>) target_semaphore(%run_scoped3A : memref<!tpu.dma_semaphore, #tpu.memory_space<semaphore_mem>>)
      %dma_wait3A = arith.constant 0 : i32
      %dma_wait3A_575 = tpu.memref_slice %arg3[%add3A_4, %dma_wait3A] : memref<64x64xf32, #tpu.memory_space<hbm>> -> memref<1x64xf32, #tpu.memory_space<hbm>>
      %dma_wait3A_576 = tpu.memref_squeeze %dma_wait3A_575 : memref<1x64xf32, #tpu.memory_space<hbm>> -> memref<64xf32, #tpu.memory_space<hbm>>
      %dma_wait3A_577 = arith.constant 0 : i32
      %dma_wait3A_578 = tpu.memref_slice %arg3[%add3A_4, %dma_wait3A_577] : memref<64x64xf32, #tpu.memory_space<hbm>> -> memref<1x64xf32, #tpu.memory_space<hbm>>
      %dma_wait3A_579 = tpu.memref_squeeze %dma_wait3A_578 : memref<1x64xf32, #tpu.memory_space<hbm>> -> memref<64xf32, #tpu.memory_space<hbm>>
      tpu.wait_dma2 semaphore(%run_scoped3A : memref<!tpu.dma_semaphore, #tpu.memory_space<semaphore_mem>>) src(%arg5 : memref<64xf32, #tpu.memory_space<vmem>>) dst(%dma_wait3A_579 : memref<64xf32, #tpu.memory_space<hbm>>)
      tpu.yield
    }) : () -> ()
    %mul3A_278 = arith.constant 2 : i32
    %mul3A_279 = arith.muli %add3A, %mul3A_278 : i32
    %add3A_280 = arith.constant 1 : i32
    %add3A_281 = arith.addi %mul3A_279, %add3A_280 : i32
    "tpu.region"() ({
      %run_scoped3A = tpu.sem_alloc : memref<!tpu.dma_semaphore, #tpu.memory_space<semaphore_mem>>
      %dma_start3A = arith.constant 0 : i32
      %dma_start3A_570 = tpu.memref_slice %arg2[%add3A_281, %dma_start3A] : memref<64x64xf32, #tpu.memory_space<hbm>> -> memref<1x64xf32, #tpu.memory_space<hbm>>
      %dma_start3A_571 = tpu.memref_squeeze %dma_start3A_570 : memref<1x64xf32, #tpu.memory_space<hbm>> -> memref<64xf32, #tpu.memory_space<hbm>>
      %dma_start3A_572 = arith.constant 0 : i32
      %dma_start3A_573 = tpu.memref_slice %arg2[%add3A_281, %dma_start3A_572] : memref<64x64xf32, #tpu.memory_space<hbm>> -> memref<1x64xf32, #tpu.memory_space<hbm>>
      %dma_start3A_574 = tpu.memref_squeeze %dma_start3A_573 : memref<1x64xf32, #tpu.memory_space<hbm>> -> memref<64xf32, #tpu.memory_space<hbm>>
      tpu.enqueue_dma source(%dma_start3A_574 : memref<64xf32, #tpu.memory_space<hbm>>) target(%arg4 : memref<64xf32, #tpu.memory_space<vmem>>) target_semaphore(%run_scoped3A : memref<!tpu.dma_semaphore, #tpu.memory_space<semaphore_mem>>)
      %dma_wait3A = arith.constant 0 : i32
      %dma_wait3A_575 = tpu.memref_slice %arg2[%add3A_281, %dma_wait3A] : memref<64x64xf32, #tpu.memory_space<hbm>> -> memref<1x64xf32, #tpu.memory_space<hbm>>
      %dma_wait3A_576 = tpu.memref_squeeze %dma_wait3A_575 : memref<1x64xf32, #tpu.memory_space<hbm>> -> memref<64xf32, #tpu.memory_space<hbm>>
      %dma_wait3A_577 = arith.constant 0 : i32
      %dma_wait3A_578 = tpu.memref_slice %arg2[%add3A_281, %dma_wait3A_577] : memref<64x64xf32, #tpu.memory_space<hbm>> -> memref<1x64xf32, #tpu.memory_space<hbm>>
      %dma_wait3A_579 = tpu.memref_squeeze %dma_wait3A_578 : memref<1x64xf32, #tpu.memory_space<hbm>> -> memref<64xf32, #tpu.memory_space<hbm>>
      tpu.wait_dma2 semaphore(%run_scoped3A : memref<!tpu.dma_semaphore, #tpu.memory_space<semaphore_mem>>) src(%dma_wait3A_579 : memref<64xf32, #tpu.memory_space<hbm>>) dst(%arg4 : memref<64xf32, #tpu.memory_space<vmem>>)
      tpu.yield
    }) : () -> ()
    %broadcast_in_dim3A_282 = arith.constant -3.000000e+38 : f32
    %broadcast_in_dim3A_283 = vector.broadcast %broadcast_in_dim3A_282 : f32 to vector<16xf32>
    %broadcast_in_dim3A_284 = arith.constant 64 : i32
    %broadcast_in_dim3A_285 = vector.broadcast %broadcast_in_dim3A_284 : i32 to vector<16xi32>
    %get3A_286 = arith.constant 0 : index
    %get3A_287 = tpu.vector_load %arg4[%get3A_286] {strides = array<i32>} : memref<64xf32, #tpu.memory_space<vmem>>, vector<16xf32>,
    %add3A_288 = arith.constant 0 : i32
    %add3A_289 = vector.broadcast %add3A_288 : i32 to vector<16xi32>
    %add3A_290 = arith.addi %iota3A, %add3A_289 : vector<16xi32>
    %masked_sort3A_291 = arith.constant dense<true> : vector<16xi1>
    %masked_sort3A_292, %masked_sort3A_293, %masked_sort3A_294 = tpu.sort %get3A_287, %add3A_290 masked %masked_sort3A_291 {descending = true} : (vector<16xf32>, vector<16xi32>, vector<16xi1>) -> (vector<16xi1>, vector<16xf32>, vector<16xi32>)
    %ge3A_295 = arith.constant 0 : i32
    %ge3A_296 = vector.broadcast %ge3A_295 : i32 to vector<16xi32>
    %ge3A_297 = arith.cmpi sge, %iota3A, %ge3A_296 : vector<16xi32>
    %lt3A_298 = arith.constant 2 : i32
    %lt3A_299 = vector.broadcast %lt3A_298 : i32 to vector<16xi32>
    %lt3A_300 = arith.cmpi slt, %iota3A, %lt3A_299 : vector<16xi32>
    %and3A_301 = arith.andi %ge3A_297, %lt3A_300 : vector<16xi1>
    %sub3A_302 = arith.constant 0 : i32
    %sub3A_303 = vector.broadcast %sub3A_302 : i32 to vector<16xi32>
    %sub3A_304 = arith.subi %iota3A, %sub3A_303 : vector<16xi32>
    %max3A_305 = arith.constant 0 : i32
    %max3A_306 = vector.broadcast %max3A_305 : i32 to vector<16xi32>
    %max3A_307 = arith.maxsi %sub3A_304, %max3A_306 : vector<16xi32>
    %lt3A_308 = arith.constant 0 : i32
    %lt3A_309 = vector.broadcast %lt3A_308 : i32 to vector<16xi32>
    %lt3A_310 = arith.cmpi slt, %max3A_307, %lt3A_309 : vector<16xi32>
    %add3A_311 = arith.constant 16 : i32
    %add3A_312 = vector.broadcast %add3A_311 : i32 to vector<16xi32>
    %add3A_313 = arith.addi %max3A_307, %add3A_312 : vector<16xi32>
    %select_n3A_314 = arith.select %lt3A_310, %add3A_313, %max3A_307 : vector<16xi1>, vector<16xi32>
    %broadcast_in_dim3A_315 = vector.shape_cast %select_n3A_314 : vector<16xi32> to vector<16x1xi32>
    %gather3A_316 = vector.shape_cast %broadcast_in_dim3A_315 : vector<16x1xi32> to vector<16xi32>
    %gather3A_317 = tpu.dynamic_gather %masked_sort3A_293[%gather3A_316] in [0] : vector<16xf32>, vector<16xi32> -> vector<16xf32>
    %select_n3A_318 = arith.select %and3A_301, %gather3A_317, %broadcast_in_dim3A_283 : vector<16xi1>, vector<16xf32>
    %lt3A_319 = arith.constant 0 : i32
    %lt3A_320 = vector.broadcast %lt3A_319 : i32 to vector<16xi32>
    %lt3A_321 = arith.cmpi slt, %max3A_307, %lt3A_320 : vector<16xi32>
    %add3A_322 = arith.constant 16 : i32
    %add3A_323 = vector.broadcast %add3A_322 : i32 to vector<16xi32>
    %add3A_324 = arith.addi %max3A_307, %add3A_323 : vector<16xi32>
    %select_n3A_325 = arith.select %lt3A_321, %add3A_324, %max3A_307 : vector<16xi1>, vector<16xi32>
    %broadcast_in_dim3A_326 = vector.shape_cast %select_n3A_325 : vector<16xi32> to vector<16x1xi32>
    %gather3A_327 = vector.shape_cast %broadcast_in_dim3A_326 : vector<16x1xi32> to vector<16xi32>
    %gather3A_328 = tpu.dynamic_gather %masked_sort3A_294[%gather3A_327] in [0] : vector<16xi32>, vector<16xi32> -> vector<16xi32>
    %select_n3A_329 = arith.select %and3A_301, %gather3A_328, %broadcast_in_dim3A_285 : vector<16xi1>, vector<16xi32>
    %get3A_330 = arith.constant 16 : index
    %get3A_331 = tpu.vector_load %arg4[%get3A_330] {strides = array<i32>} : memref<64xf32, #tpu.memory_space<vmem>>, vector<16xf32>,
    %add3A_332 = arith.constant 16 : i32
    %add3A_333 = vector.broadcast %add3A_332 : i32 to vector<16xi32>
    %add3A_334 = arith.addi %iota3A, %add3A_333 : vector<16xi32>
    %masked_sort3A_335 = arith.constant dense<true> : vector<16xi1>
    %masked_sort3A_336, %masked_sort3A_337, %masked_sort3A_338 = tpu.sort %get3A_331, %add3A_334 masked %masked_sort3A_335 {descending = true} : (vector<16xf32>, vector<16xi32>, vector<16xi1>) -> (vector<16xi1>, vector<16xf32>, vector<16xi32>)
    %ge3A_339 = arith.constant 2 : i32
    %ge3A_340 = vector.broadcast %ge3A_339 : i32 to vector<16xi32>
    %ge3A_341 = arith.cmpi sge, %iota3A, %ge3A_340 : vector<16xi32>
    %lt3A_342 = arith.constant 4 : i32
    %lt3A_343 = vector.broadcast %lt3A_342 : i32 to vector<16xi32>
    %lt3A_344 = arith.cmpi slt, %iota3A, %lt3A_343 : vector<16xi32>
    %and3A_345 = arith.andi %ge3A_341, %lt3A_344 : vector<16xi1>
    %sub3A_346 = arith.constant 2 : i32
    %sub3A_347 = vector.broadcast %sub3A_346 : i32 to vector<16xi32>
    %sub3A_348 = arith.subi %iota3A, %sub3A_347 : vector<16xi32>
    %max3A_349 = arith.constant 0 : i32
    %max3A_350 = vector.broadcast %max3A_349 : i32 to vector<16xi32>
    %max3A_351 = arith.maxsi %sub3A_348, %max3A_350 : vector<16xi32>
    %lt3A_352 = arith.constant 0 : i32
    %lt3A_353 = vector.broadcast %lt3A_352 : i32 to vector<16xi32>
    %lt3A_354 = arith.cmpi slt, %max3A_351, %lt3A_353 : vector<16xi32>
    %add3A_355 = arith.constant 16 : i32
    %add3A_356 = vector.broadcast %add3A_355 : i32 to vector<16xi32>
    %add3A_357 = arith.addi %max3A_351, %add3A_356 : vector<16xi32>
    %select_n3A_358 = arith.select %lt3A_354, %add3A_357, %max3A_351 : vector<16xi1>, vector<16xi32>
    %broadcast_in_dim3A_359 = vector.shape_cast %select_n3A_358 : vector<16xi32> to vector<16x1xi32>
    %gather3A_360 = vector.shape_cast %broadcast_in_dim3A_359 : vector<16x1xi32> to vector<16xi32>
    %gather3A_361 = tpu.dynamic_gather %masked_sort3A_337[%gather3A_360] in [0] : vector<16xf32>, vector<16xi32> -> vector<16xf32>
    %select_n3A_362 = arith.select %and3A_345, %gather3A_361, %select_n3A_318 : vector<16xi1>, vector<16xf32>
    %lt3A_363 = arith.constant 0 : i32
    %lt3A_364 = vector.broadcast %lt3A_363 : i32 to vector<16xi32>
    %lt3A_365 = arith.cmpi slt, %max3A_351, %lt3A_364 : vector<16xi32>
    %add3A_366 = arith.constant 16 : i32
    %add3A_367 = vector.broadcast %add3A_366 : i32 to vector<16xi32>
    %add3A_368 = arith.addi %max3A_351, %add3A_367 : vector<16xi32>
    %select_n3A_369 = arith.select %lt3A_365, %add3A_368, %max3A_351 : vector<16xi1>, vector<16xi32>
    %broadcast_in_dim3A_370 = vector.shape_cast %select_n3A_369 : vector<16xi32> to vector<16x1xi32>
    %gather3A_371 = vector.shape_cast %broadcast_in_dim3A_370 : vector<16x1xi32> to vector<16xi32>
    %gather3A_372 = tpu.dynamic_gather %masked_sort3A_338[%gather3A_371] in [0] : vector<16xi32>, vector<16xi32> -> vector<16xi32>
    %select_n3A_373 = arith.select %and3A_345, %gather3A_372, %select_n3A_329 : vector<16xi1>, vector<16xi32>
    %get3A_374 = arith.constant 32 : index
    %get3A_375 = tpu.vector_load %arg4[%get3A_374] {strides = array<i32>} : memref<64xf32, #tpu.memory_space<vmem>>, vector<16xf32>,
    %add3A_376 = arith.constant 32 : i32
    %add3A_377 = vector.broadcast %add3A_376 : i32 to vector<16xi32>
    %add3A_378 = arith.addi %iota3A, %add3A_377 : vector<16xi32>
    %masked_sort3A_379 = arith.constant dense<true> : vector<16xi1>
    %masked_sort3A_380, %masked_sort3A_381, %masked_sort3A_382 = tpu.sort %get3A_375, %add3A_378 masked %masked_sort3A_379 {descending = true} : (vector<16xf32>, vector<16xi32>, vector<16xi1>) -> (vector<16xi1>, vector<16xf32>, vector<16xi32>)
    %ge3A_383 = arith.constant 4 : i32
    %ge3A_384 = vector.broadcast %ge3A_383 : i32 to vector<16xi32>
    %ge3A_385 = arith.cmpi sge, %iota3A, %ge3A_384 : vector<16xi32>
    %lt3A_386 = arith.constant 6 : i32
    %lt3A_387 = vector.broadcast %lt3A_386 : i32 to vector<16xi32>
    %lt3A_388 = arith.cmpi slt, %iota3A, %lt3A_387 : vector<16xi32>
    %and3A_389 = arith.andi %ge3A_385, %lt3A_388 : vector<16xi1>
    %sub3A_390 = arith.constant 4 : i32
    %sub3A_391 = vector.broadcast %sub3A_390 : i32 to vector<16xi32>
    %sub3A_392 = arith.subi %iota3A, %sub3A_391 : vector<16xi32>
    %max3A_393 = arith.constant 0 : i32
    %max3A_394 = vector.broadcast %max3A_393 : i32 to vector<16xi32>
    %max3A_395 = arith.maxsi %sub3A_392, %max3A_394 : vector<16xi32>
    %lt3A_396 = arith.constant 0 : i32
    %lt3A_397 = vector.broadcast %lt3A_396 : i32 to vector<16xi32>
    %lt3A_398 = arith.cmpi slt, %max3A_395, %lt3A_397 : vector<16xi32>
    %add3A_399 = arith.constant 16 : i32
    %add3A_400 = vector.broadcast %add3A_399 : i32 to vector<16xi32>
    %add3A_401 = arith.addi %max3A_395, %add3A_400 : vector<16xi32>
    %select_n3A_402 = arith.select %lt3A_398, %add3A_401, %max3A_395 : vector<16xi1>, vector<16xi32>
    %broadcast_in_dim3A_403 = vector.shape_cast %select_n3A_402 : vector<16xi32> to vector<16x1xi32>
    %gather3A_404 = vector.shape_cast %broadcast_in_dim3A_403 : vector<16x1xi32> to vector<16xi32>
    %gather3A_405 = tpu.dynamic_gather %masked_sort3A_381[%gather3A_404] in [0] : vector<16xf32>, vector<16xi32> -> vector<16xf32>
    %select_n3A_406 = arith.select %and3A_389, %gather3A_405, %select_n3A_362 : vector<16xi1>, vector<16xf32>
    %lt3A_407 = arith.constant 0 : i32
    %lt3A_408 = vector.broadcast %lt3A_407 : i32 to vector<16xi32>
    %lt3A_409 = arith.cmpi slt, %max3A_395, %lt3A_408 : vector<16xi32>
    %add3A_410 = arith.constant 16 : i32
    %add3A_411 = vector.broadcast %add3A_410 : i32 to vector<16xi32>
    %add3A_412 = arith.addi %max3A_395, %add3A_411 : vector<16xi32>
    %select_n3A_413 = arith.select %lt3A_409, %add3A_412, %max3A_395 : vector<16xi1>, vector<16xi32>
    %broadcast_in_dim3A_414 = vector.shape_cast %select_n3A_413 : vector<16xi32> to vector<16x1xi32>
    %gather3A_415 = vector.shape_cast %broadcast_in_dim3A_414 : vector<16x1xi32> to vector<16xi32>
    %gather3A_416 = tpu.dynamic_gather %masked_sort3A_382[%gather3A_415] in [0] : vector<16xi32>, vector<16xi32> -> vector<16xi32>
    %select_n3A_417 = arith.select %and3A_389, %gather3A_416, %select_n3A_373 : vector<16xi1>, vector<16xi32>
    %get3A_418 = arith.constant 48 : index
    %get3A_419 = tpu.vector_load %arg4[%get3A_418] {strides = array<i32>} : memref<64xf32, #tpu.memory_space<vmem>>, vector<16xf32>,
    %add3A_420 = arith.constant 48 : i32
    %add3A_421 = vector.broadcast %add3A_420 : i32 to vector<16xi32>
    %add3A_422 = arith.addi %iota3A, %add3A_421 : vector<16xi32>
    %masked_sort3A_423 = arith.constant dense<true> : vector<16xi1>
    %masked_sort3A_424, %masked_sort3A_425, %masked_sort3A_426 = tpu.sort %get3A_419, %add3A_422 masked %masked_sort3A_423 {descending = true} : (vector<16xf32>, vector<16xi32>, vector<16xi1>) -> (vector<16xi1>, vector<16xf32>, vector<16xi32>)
    %ge3A_427 = arith.constant 6 : i32
    %ge3A_428 = vector.broadcast %ge3A_427 : i32 to vector<16xi32>
    %ge3A_429 = arith.cmpi sge, %iota3A, %ge3A_428 : vector<16xi32>
    %lt3A_430 = arith.constant 8 : i32
    %lt3A_431 = vector.broadcast %lt3A_430 : i32 to vector<16xi32>
    %lt3A_432 = arith.cmpi slt, %iota3A, %lt3A_431 : vector<16xi32>
    %and3A_433 = arith.andi %ge3A_429, %lt3A_432 : vector<16xi1>
    %sub3A_434 = arith.constant 6 : i32
    %sub3A_435 = vector.broadcast %sub3A_434 : i32 to vector<16xi32>
    %sub3A_436 = arith.subi %iota3A, %sub3A_435 : vector<16xi32>
    %max3A_437 = arith.constant 0 : i32
    %max3A_438 = vector.broadcast %max3A_437 : i32 to vector<16xi32>
    %max3A_439 = arith.maxsi %sub3A_436, %max3A_438 : vector<16xi32>
    %lt3A_440 = arith.constant 0 : i32
    %lt3A_441 = vector.broadcast %lt3A_440 : i32 to vector<16xi32>
    %lt3A_442 = arith.cmpi slt, %max3A_439, %lt3A_441 : vector<16xi32>
    %add3A_443 = arith.constant 16 : i32
    %add3A_444 = vector.broadcast %add3A_443 : i32 to vector<16xi32>
    %add3A_445 = arith.addi %max3A_439, %add3A_444 : vector<16xi32>
    %select_n3A_446 = arith.select %lt3A_442, %add3A_445, %max3A_439 : vector<16xi1>, vector<16xi32>
    %broadcast_in_dim3A_447 = vector.shape_cast %select_n3A_446 : vector<16xi32> to vector<16x1xi32>
    %gather3A_448 = vector.shape_cast %broadcast_in_dim3A_447 : vector<16x1xi32> to vector<16xi32>
    %gather3A_449 = tpu.dynamic_gather %masked_sort3A_425[%gather3A_448] in [0] : vector<16xf32>, vector<16xi32> -> vector<16xf32>
    %select_n3A_450 = arith.select %and3A_433, %gather3A_449, %select_n3A_406 : vector<16xi1>, vector<16xf32>
    %lt3A_451 = arith.constant 0 : i32
    %lt3A_452 = vector.broadcast %lt3A_451 : i32 to vector<16xi32>
    %lt3A_453 = arith.cmpi slt, %max3A_439, %lt3A_452 : vector<16xi32>
    %add3A_454 = arith.constant 16 : i32
    %add3A_455 = vector.broadcast %add3A_454 : i32 to vector<16xi32>
    %add3A_456 = arith.addi %max3A_439, %add3A_455 : vector<16xi32>
    %select_n3A_457 = arith.select %lt3A_453, %add3A_456, %max3A_439 : vector<16xi1>, vector<16xi32>
    %broadcast_in_dim3A_458 = vector.shape_cast %select_n3A_457 : vector<16xi32> to vector<16x1xi32>
    %gather3A_459 = vector.shape_cast %broadcast_in_dim3A_458 : vector<16x1xi32> to vector<16xi32>
    %gather3A_460 = tpu.dynamic_gather %masked_sort3A_426[%gather3A_459] in [0] : vector<16xi32>, vector<16xi32> -> vector<16xi32>
    %select_n3A_461 = arith.select %and3A_433, %gather3A_460, %select_n3A_417 : vector<16xi1>, vector<16xi32>
    %masked_sort3A_462 = arith.constant dense<true> : vector<16xi1>
    %masked_sort3A_463, %masked_sort3A_464, %masked_sort3A_465 = tpu.sort %select_n3A_450, %select_n3A_461 masked %masked_sort3A_462 {descending = true} : (vector<16xf32>, vector<16xi32>, vector<16xi1>) -> (vector<16xi1>, vector<16xf32>, vector<16xi32>)
    %broadcast_in_dim3A_466 = arith.constant 0 : i32
    %broadcast_in_dim3A_467 = vector.broadcast %broadcast_in_dim3A_466 : i32 to vector<16xi32>
    %lt3A_468 = arith.constant 0 : i32
    %lt3A_469 = vector.broadcast %lt3A_468 : i32 to vector<16xi32>
    %lt3A_470 = arith.cmpi slt, %broadcast_in_dim3A_467, %lt3A_469 : vector<16xi32>
    %add3A_471 = arith.constant 16 : i32
    %add3A_472 = vector.broadcast %add3A_471 : i32 to vector<16xi32>
    %add3A_473 = arith.addi %broadcast_in_dim3A_467, %add3A_472 : vector<16xi32>
    %select_n3A_474 = arith.select %lt3A_470, %add3A_473, %broadcast_in_dim3A_467 : vector<16xi1>, vector<16xi32>
    %broadcast_in_dim3A_475 = vector.shape_cast %select_n3A_474 : vector<16xi32> to vector<16x1xi32>
    %gather3A_476 = vector.shape_cast %broadcast_in_dim3A_475 : vector<16x1xi32> to vector<16xi32>
    %gather3A_477 = tpu.dynamic_gather %masked_sort3A_464[%gather3A_476] in [0] : vector<16xf32>, vector<16xi32> -> vector<16xf32>
    %add3A_478 = arith.constant 1 : i32
    %add3A_479 = vector.broadcast %add3A_478 : i32 to vector<16xi32>
    %add3A_480 = arith.addi %broadcast_in_dim3A_467, %add3A_479 : vector<16xi32>
    %lt3A_481 = arith.constant 0 : i32
    %lt3A_482 = vector.broadcast %lt3A_481 : i32 to vector<16xi32>
    %lt3A_483 = arith.cmpi slt, %add3A_480, %lt3A_482 : vector<16xi32>
    %add3A_484 = arith.constant 16 : i32
    %add3A_485 = vector.broadcast %add3A_484 : i32 to vector<16xi32>
    %add3A_486 = arith.addi %add3A_480, %add3A_485 : vector<16xi32>
    %select_n3A_487 = arith.select %lt3A_483, %add3A_486, %add3A_480 : vector<16xi1>, vector<16xi32>
    %broadcast_in_dim3A_488 = vector.shape_cast %select_n3A_487 : vector<16xi32> to vector<16x1xi32>
    %gather3A_489 = vector.shape_cast %broadcast_in_dim3A_488 : vector<16x1xi32> to vector<16xi32>
    %gather3A_490 = tpu.dynamic_gather %masked_sort3A_464[%gather3A_489] in [0] : vector<16xf32>, vector<16xi32> -> vector<16xf32>
    %lt3A_491 = arith.constant 0 : i32
    %lt3A_492 = vector.broadcast %lt3A_491 : i32 to vector<16xi32>
    %lt3A_493 = arith.cmpi slt, %broadcast_in_dim3A_467, %lt3A_492 : vector<16xi32>
    %add3A_494 = arith.constant 16 : i32
    %add3A_495 = vector.broadcast %add3A_494 : i32 to vector<16xi32>
    %add3A_496 = arith.addi %broadcast_in_dim3A_467, %add3A_495 : vector<16xi32>
    %select_n3A_497 = arith.select %lt3A_493, %add3A_496, %broadcast_in_dim3A_467 : vector<16xi1>, vector<16xi32>
    %broadcast_in_dim3A_498 = vector.shape_cast %select_n3A_497 : vector<16xi32> to vector<16x1xi32>
    %gather3A_499 = vector.shape_cast %broadcast_in_dim3A_498 : vector<16x1xi32> to vector<16xi32>
    %gather3A_500 = tpu.dynamic_gather %masked_sort3A_465[%gather3A_499] in [0] : vector<16xi32>, vector<16xi32> -> vector<16xi32>
    %add3A_501 = arith.constant 1 : i32
    %add3A_502 = vector.broadcast %add3A_501 : i32 to vector<16xi32>
    %add3A_503 = arith.addi %broadcast_in_dim3A_467, %add3A_502 : vector<16xi32>
    %lt3A_504 = arith.constant 0 : i32
    %lt3A_505 = vector.broadcast %lt3A_504 : i32 to vector<16xi32>
    %lt3A_506 = arith.cmpi slt, %add3A_503, %lt3A_505 : vector<16xi32>
    %add3A_507 = arith.constant 16 : i32
    %add3A_508 = vector.broadcast %add3A_507 : i32 to vector<16xi32>
    %add3A_509 = arith.addi %add3A_503, %add3A_508 : vector<16xi32>
    %select_n3A_510 = arith.select %lt3A_506, %add3A_509, %add3A_503 : vector<16xi1>, vector<16xi32>
    %broadcast_in_dim3A_511 = vector.shape_cast %select_n3A_510 : vector<16xi32> to vector<16x1xi32>
    %gather3A_512 = vector.shape_cast %broadcast_in_dim3A_511 : vector<16x1xi32> to vector<16xi32>
    %gather3A_513 = tpu.dynamic_gather %masked_sort3A_465[%gather3A_512] in [0] : vector<16xi32>, vector<16xi32> -> vector<16xi32>
    %sub3A_514 = arith.subf %gather3A_490, %gather3A_477 : vector<16xf32>
    %exp3A_515 = math.exp %sub3A_514 : vector<16xf32>
    %add3A_516 = arith.constant 1.000000e+00 : f32
    %add3A_517 = vector.broadcast %add3A_516 : f32 to vector<16xf32>
    %add3A_518 = arith.addf %add3A_517, %exp3A_515 : vector<16xf32>
    %div3A_519 = arith.constant 1.000000e+00 : f32
    %div3A_520 = vector.broadcast %div3A_519 : f32 to vector<16xf32>
    %div3A_521 = arith.divf %div3A_520, %add3A_518 : vector<16xf32>
    %add3A_522 = arith.constant 1.000000e+00 : f32
    %add3A_523 = vector.broadcast %add3A_522 : f32 to vector<16xf32>
    %add3A_524 = arith.addf %add3A_523, %exp3A_515 : vector<16xf32>
    %div3A_525 = arith.divf %exp3A_515, %add3A_524 : vector<16xf32>
    %add3A_526 = arith.constant 0 : i32
    %add3A_527 = vector.broadcast %add3A_526 : i32 to vector<16xi32>
    %add3A_528 = arith.addi %iota3A, %add3A_527 : vector<16xi32>
    %eq3A_529 = arith.cmpi eq, %add3A_528, %gather3A_500 : vector<16xi32>
    %eq3A_530 = arith.cmpi eq, %add3A_528, %gather3A_513 : vector<16xi32>
    %jit3A_531 = arith.constant 0.000000e+00 : f32
    %broadcast_in_dim3A_532 = vector.broadcast %jit3A_531 : f32 to vector<16xf32>
    %select_n3A_533 = arith.select %eq3A_530, %div3A_525, %broadcast_in_dim3A_532 : vector<16xi1>, vector<16xf32>
    %select_n3A_534 = arith.select %eq3A_529, %div3A_521, %select_n3A_533 : vector<16xi1>, vector<16xf32>
    %swap3A_535 = arith.constant 0 : index
    %swap3A_536 = tpu.vector_load %arg5[%swap3A_535] {strides = array<i32>} : memref<64xf32, #tpu.memory_space<vmem>>, vector<16xf32>,
    tpu.vector_store %arg5[%swap3A_535], %select_n3A_534 {strides = array<i32>} : memref<64xf32, #tpu.memory_space<vmem>>, vector<16xf32>,
    %add3A_537 = arith.constant 16 : i32
    %add3A_538 = vector.broadcast %add3A_537 : i32 to vector<16xi32>
    %add3A_539 = arith.addi %iota3A, %add3A_538 : vector<16xi32>
    %eq3A_540 = arith.cmpi eq, %add3A_539, %gather3A_500 : vector<16xi32>
    %eq3A_541 = arith.cmpi eq, %add3A_539, %gather3A_513 : vector<16xi32>
    %jit3A_542 = arith.constant 0.000000e+00 : f32
    %broadcast_in_dim3A_543 = vector.broadcast %jit3A_542 : f32 to vector<16xf32>
    %select_n3A_544 = arith.select %eq3A_541, %div3A_525, %broadcast_in_dim3A_543 : vector<16xi1>, vector<16xf32>
    %select_n3A_545 = arith.select %eq3A_540, %div3A_521, %select_n3A_544 : vector<16xi1>, vector<16xf32>
    %swap3A_546 = arith.constant 16 : index
    %swap3A_547 = tpu.vector_load %arg5[%swap3A_546] {strides = array<i32>} : memref<64xf32, #tpu.memory_space<vmem>>, vector<16xf32>,
    tpu.vector_store %arg5[%swap3A_546], %select_n3A_545 {strides = array<i32>} : memref<64xf32, #tpu.memory_space<vmem>>, vector<16xf32>,
    %add3A_548 = arith.constant 32 : i32
    %add3A_549 = vector.broadcast %add3A_548 : i32 to vector<16xi32>
    %add3A_550 = arith.addi %iota3A, %add3A_549 : vector<16xi32>
    %eq3A_551 = arith.cmpi eq, %add3A_550, %gather3A_500 : vector<16xi32>
    %eq3A_552 = arith.cmpi eq, %add3A_550, %gather3A_513 : vector<16xi32>
    %jit3A_553 = arith.constant 0.000000e+00 : f32
    %broadcast_in_dim3A_554 = vector.broadcast %jit3A_553 : f32 to vector<16xf32>
    %select_n3A_555 = arith.select %eq3A_552, %div3A_525, %broadcast_in_dim3A_554 : vector<16xi1>, vector<16xf32>
    %select_n3A_556 = arith.select %eq3A_551, %div3A_521, %select_n3A_555 : vector<16xi1>, vector<16xf32>
    %swap3A_557 = arith.constant 32 : index
    %swap3A_558 = tpu.vector_load %arg5[%swap3A_557] {strides = array<i32>} : memref<64xf32, #tpu.memory_space<vmem>>, vector<16xf32>,
    tpu.vector_store %arg5[%swap3A_557], %select_n3A_556 {strides = array<i32>} : memref<64xf32, #tpu.memory_space<vmem>>, vector<16xf32>,
    %add3A_559 = arith.constant 48 : i32
    %add3A_560 = vector.broadcast %add3A_559 : i32 to vector<16xi32>
    %add3A_561 = arith.addi %iota3A, %add3A_560 : vector<16xi32>
    %eq3A_562 = arith.cmpi eq, %add3A_561, %gather3A_500 : vector<16xi32>
    %eq3A_563 = arith.cmpi eq, %add3A_561, %gather3A_513 : vector<16xi32>
    %jit3A_564 = arith.constant 0.000000e+00 : f32
    %broadcast_in_dim3A_565 = vector.broadcast %jit3A_564 : f32 to vector<16xf32>
    %select_n3A_566 = arith.select %eq3A_563, %div3A_525, %broadcast_in_dim3A_565 : vector<16xi1>, vector<16xf32>
    %select_n3A_567 = arith.select %eq3A_562, %div3A_521, %select_n3A_566 : vector<16xi1>, vector<16xf32>
    %swap3A_568 = arith.constant 48 : index
    %swap3A_569 = tpu.vector_load %arg5[%swap3A_568] {strides = array<i32>} : memref<64xf32, #tpu.memory_space<vmem>>, vector<16xf32>,
    tpu.vector_store %arg5[%swap3A_568], %select_n3A_567 {strides = array<i32>} : memref<64xf32, #tpu.memory_space<vmem>>, vector<16xf32>,
    "tpu.region"() ({
      %run_scoped3A = tpu.sem_alloc : memref<!tpu.dma_semaphore, #tpu.memory_space<semaphore_mem>>
      %dma_start3A = arith.constant 0 : i32
      %dma_start3A_570 = tpu.memref_slice %arg3[%add3A_281, %dma_start3A] : memref<64x64xf32, #tpu.memory_space<hbm>> -> memref<1x64xf32, #tpu.memory_space<hbm>>
      %dma_start3A_571 = tpu.memref_squeeze %dma_start3A_570 : memref<1x64xf32, #tpu.memory_space<hbm>> -> memref<64xf32, #tpu.memory_space<hbm>>
      %dma_start3A_572 = arith.constant 0 : i32
      %dma_start3A_573 = tpu.memref_slice %arg3[%add3A_281, %dma_start3A_572] : memref<64x64xf32, #tpu.memory_space<hbm>> -> memref<1x64xf32, #tpu.memory_space<hbm>>
      %dma_start3A_574 = tpu.memref_squeeze %dma_start3A_573 : memref<1x64xf32, #tpu.memory_space<hbm>> -> memref<64xf32, #tpu.memory_space<hbm>>
      tpu.enqueue_dma source(%arg5 : memref<64xf32, #tpu.memory_space<vmem>>) target(%dma_start3A_574 : memref<64xf32, #tpu.memory_space<hbm>>) target_semaphore(%run_scoped3A : memref<!tpu.dma_semaphore, #tpu.memory_space<semaphore_mem>>)
      %dma_wait3A = arith.constant 0 : i32
      %dma_wait3A_575 = tpu.memref_slice %arg3[%add3A_281, %dma_wait3A] : memref<64x64xf32, #tpu.memory_space<hbm>> -> memref<1x64xf32, #tpu.memory_space<hbm>>
      %dma_wait3A_576 = tpu.memref_squeeze %dma_wait3A_575 : memref<1x64xf32, #tpu.memory_space<hbm>> -> memref<64xf32, #tpu.memory_space<hbm>>
      %dma_wait3A_577 = arith.constant 0 : i32
      %dma_wait3A_578 = tpu.memref_slice %arg3[%add3A_281, %dma_wait3A_577] : memref<64x64xf32, #tpu.memory_space<hbm>> -> memref<1x64xf32, #tpu.memory_space<hbm>>
      %dma_wait3A_579 = tpu.memref_squeeze %dma_wait3A_578 : memref<1x64xf32, #tpu.memory_space<hbm>> -> memref<64xf32, #tpu.memory_space<hbm>>
      tpu.wait_dma2 semaphore(%run_scoped3A : memref<!tpu.dma_semaphore, #tpu.memory_space<semaphore_mem>>) src(%arg5 : memref<64xf32, #tpu.memory_space<vmem>>) dst(%dma_wait3A_579 : memref<64xf32, #tpu.memory_space<hbm>>)
      tpu.yield
    }) : () -> ()
    return
  }
}

module attributes {stable_mosaic.version = 14 : i64} {
  func.func @_moe_body(%arg0: i32, %arg1: memref<64x768xf32, #tpu.memory_space<vmem>>, %arg2: memref<64x64xf32, #tpu.memory_space<vmem>>, %arg3: memref<1x64xf32, #tpu.memory_space<vmem>>, %arg4: memref<64x768x1024xf32, #tpu.memory_space<any>>, %arg5: memref<64x768x1024xf32, #tpu.memory_space<any>>, %arg6: memref<64x1024x768xf32, #tpu.memory_space<any>>, %arg7: memref<64x768xf32, #tpu.memory_space<vmem>>, %arg8: memref<64x64xf32, #tpu.memory_space<vmem>>, %arg9: memref<1x64xi32, #tpu.memory_space<vmem>>, %arg10: memref<1x1xi32, #tpu.memory_space<vmem>>, %arg11: memref<1x64xi32, #tpu.memory_space<smem>>, %arg12: memref<1x1xi32, #tpu.memory_space<smem>>, %arg13: memref<2x768x1024xf32, #tpu.memory_space<vmem>>, %arg14: memref<2x768x1024xf32, #tpu.memory_space<vmem>>, %arg15: memref<2x1024x768xf32, #tpu.memory_space<vmem>>, %arg16: memref<2x3x!tpu.dma_semaphore, #tpu.memory_space<semaphore_mem>>, %arg17: memref<2x!tpu.dma_semaphore, #tpu.memory_space<semaphore_mem>>) attributes {dimension_semantics = [#tpu.dimension_semantics<arbitrary>], iteration_bounds = array<i64: 64>, scalar_prefetch = 0 : i64, scratch_operands = 10 : i64, tpu.core_type = #tpu.core_type<tc>, window_params = [{pipeline_mode = #tpu.pipeline_mode<synchronous>, transform_indices = @transform_0, window_bounds = array<i64: 64, 768>}, {pipeline_mode = #tpu.pipeline_mode<synchronous>, transform_indices = @transform_1, window_bounds = array<i64: 64, 64>}, {pipeline_mode = #tpu.pipeline_mode<synchronous>, transform_indices = @transform_2, window_bounds = array<i64: 1, 64>}, {}, {}, {}, {pipeline_mode = #tpu.pipeline_mode<synchronous>, transform_indices = @transform_6, window_bounds = array<i64: 64, 768>}]} {
    %eq3A = arith.constant 0 : i32
    %eq3A_0 = arith.cmpi eq, %arg0, %eq3A : i32
    %convert_element_type3A = arith.extui %eq3A_0 : i1 to i32
    %cond3A = arith.constant 0 : i32
    %cond3A_1 = arith.cmpi ne, %convert_element_type3A, %cond3A : i32
    scf.if %cond3A_1 {
      %dma_start3A = arith.constant 0 : i32
      %dma_start3A_12 = arith.constant 0 : i32
      %dma_start3A_13 = arith.constant 0 : i32
      %dma_start3A_14 = arith.constant 0 : i32
      %dma_start3A_15 = tpu.memref_slice %arg16[%dma_start3A_13, %dma_start3A_14] : memref<2x3x!tpu.dma_semaphore, #tpu.memory_space<semaphore_mem>> -> memref<1x1x!tpu.dma_semaphore, #tpu.memory_space<semaphore_mem>>
      %dma_start3A_16 = tpu.memref_squeeze %dma_start3A_15 : memref<1x1x!tpu.dma_semaphore, #tpu.memory_space<semaphore_mem>> -> memref<!tpu.dma_semaphore, #tpu.memory_space<semaphore_mem>>
      %dma_start3A_17 = arith.constant 0 : i32
      %dma_start3A_18 = arith.constant 0 : i32
      %dma_start3A_19 = tpu.memref_slice %arg13[%dma_start3A_12, %dma_start3A_17, %dma_start3A_18] : memref<2x768x1024xf32, #tpu.memory_space<vmem>> -> memref<1x768x1024xf32, #tpu.memory_space<vmem>>
      %dma_start3A_20 = tpu.memref_squeeze %dma_start3A_19 : memref<1x768x1024xf32, #tpu.memory_space<vmem>> -> memref<768x1024xf32, #tpu.memory_space<vmem>>
      %dma_start3A_21 = arith.constant 0 : i32
      %dma_start3A_22 = arith.constant 0 : i32
      %dma_start3A_23 = tpu.memref_slice %arg4[%dma_start3A, %dma_start3A_21, %dma_start3A_22] : memref<64x768x1024xf32, #tpu.memory_space<any>> -> memref<1x768x1024xf32, #tpu.memory_space<any>>
      %dma_start3A_24 = tpu.memref_squeeze %dma_start3A_23 : memref<1x768x1024xf32, #tpu.memory_space<any>> -> memref<768x1024xf32, #tpu.memory_space<any>>
      tpu.enqueue_dma source(%dma_start3A_24 : memref<768x1024xf32, #tpu.memory_space<any>>) target(%dma_start3A_20 : memref<768x1024xf32, #tpu.memory_space<vmem>>) target_semaphore(%dma_start3A_16 : memref<!tpu.dma_semaphore, #tpu.memory_space<semaphore_mem>>)
      %dma_start3A_25 = arith.constant 0 : i32
      %dma_start3A_26 = arith.constant 0 : i32
      %dma_start3A_27 = arith.constant 0 : i32
      %dma_start3A_28 = arith.constant 1 : i32
      %dma_start3A_29 = tpu.memref_slice %arg16[%dma_start3A_27, %dma_start3A_28] : memref<2x3x!tpu.dma_semaphore, #tpu.memory_space<semaphore_mem>> -> memref<1x1x!tpu.dma_semaphore, #tpu.memory_space<semaphore_mem>>
      %dma_start3A_30 = tpu.memref_squeeze %dma_start3A_29 : memref<1x1x!tpu.dma_semaphore, #tpu.memory_space<semaphore_mem>> -> memref<!tpu.dma_semaphore, #tpu.memory_space<semaphore_mem>>
      %dma_start3A_31 = arith.constant 0 : i32
      %dma_start3A_32 = arith.constant 0 : i32
      %dma_start3A_33 = tpu.memref_slice %arg14[%dma_start3A_26, %dma_start3A_31, %dma_start3A_32] : memref<2x768x1024xf32, #tpu.memory_space<vmem>> -> memref<1x768x1024xf32, #tpu.memory_space<vmem>>
      %dma_start3A_34 = tpu.memref_squeeze %dma_start3A_33 : memref<1x768x1024xf32, #tpu.memory_space<vmem>> -> memref<768x1024xf32, #tpu.memory_space<vmem>>
      %dma_start3A_35 = arith.constant 0 : i32
      %dma_start3A_36 = arith.constant 0 : i32
      %dma_start3A_37 = tpu.memref_slice %arg5[%dma_start3A_25, %dma_start3A_35, %dma_start3A_36] : memref<64x768x1024xf32, #tpu.memory_space<any>> -> memref<1x768x1024xf32, #tpu.memory_space<any>>
      %dma_start3A_38 = tpu.memref_squeeze %dma_start3A_37 : memref<1x768x1024xf32, #tpu.memory_space<any>> -> memref<768x1024xf32, #tpu.memory_space<any>>
      tpu.enqueue_dma source(%dma_start3A_38 : memref<768x1024xf32, #tpu.memory_space<any>>) target(%dma_start3A_34 : memref<768x1024xf32, #tpu.memory_space<vmem>>) target_semaphore(%dma_start3A_30 : memref<!tpu.dma_semaphore, #tpu.memory_space<semaphore_mem>>)
      %dma_start3A_39 = arith.constant 0 : i32
      %dma_start3A_40 = arith.constant 0 : i32
      %dma_start3A_41 = arith.constant 0 : i32
      %dma_start3A_42 = arith.constant 2 : i32
      %dma_start3A_43 = tpu.memref_slice %arg16[%dma_start3A_41, %dma_start3A_42] : memref<2x3x!tpu.dma_semaphore, #tpu.memory_space<semaphore_mem>> -> memref<1x1x!tpu.dma_semaphore, #tpu.memory_space<semaphore_mem>>
      %dma_start3A_44 = tpu.memref_squeeze %dma_start3A_43 : memref<1x1x!tpu.dma_semaphore, #tpu.memory_space<semaphore_mem>> -> memref<!tpu.dma_semaphore, #tpu.memory_space<semaphore_mem>>
      %dma_start3A_45 = arith.constant 0 : i32
      %dma_start3A_46 = arith.constant 0 : i32
      %dma_start3A_47 = tpu.memref_slice %arg15[%dma_start3A_40, %dma_start3A_45, %dma_start3A_46] : memref<2x1024x768xf32, #tpu.memory_space<vmem>> -> memref<1x1024x768xf32, #tpu.memory_space<vmem>>
      %dma_start3A_48 = tpu.memref_squeeze %dma_start3A_47 : memref<1x1024x768xf32, #tpu.memory_space<vmem>> -> memref<1024x768xf32, #tpu.memory_space<vmem>>
      %dma_start3A_49 = arith.constant 0 : i32
      %dma_start3A_50 = arith.constant 0 : i32
      %dma_start3A_51 = tpu.memref_slice %arg6[%dma_start3A_39, %dma_start3A_49, %dma_start3A_50] : memref<64x1024x768xf32, #tpu.memory_space<any>> -> memref<1x1024x768xf32, #tpu.memory_space<any>>
      %dma_start3A_52 = tpu.memref_squeeze %dma_start3A_51 : memref<1x1024x768xf32, #tpu.memory_space<any>> -> memref<1024x768xf32, #tpu.memory_space<any>>
      tpu.enqueue_dma source(%dma_start3A_52 : memref<1024x768xf32, #tpu.memory_space<any>>) target(%dma_start3A_48 : memref<1024x768xf32, #tpu.memory_space<vmem>>) target_semaphore(%dma_start3A_44 : memref<!tpu.dma_semaphore, #tpu.memory_space<semaphore_mem>>)
      %broadcast_in_dim3A = arith.constant 0.000000e+00 : f32
      %broadcast_in_dim3A_53 = vector.broadcast %broadcast_in_dim3A : f32 to vector<64x768xf32>
      %swap3A = arith.constant 0 : index
      %swap3A_54 = arith.constant 0 : index
      %swap3A_55 = vector.load %arg7[%swap3A, %swap3A_54] : memref<64x768xf32, #tpu.memory_space<vmem>>, vector<64x768xf32>
      tpu.vector_store %arg7[%swap3A, %swap3A_54], %broadcast_in_dim3A_53 {strides = array<i32>} : memref<64x768xf32, #tpu.memory_space<vmem>>, vector<64x768xf32>,
      %get3A_56 = arith.constant 0 : index
      %get3A_57 = arith.constant 0 : index
      %get3A_58 = vector.load %arg2[%get3A_56, %get3A_57] : memref<64x64xf32, #tpu.memory_space<vmem>>, vector<64x64xf32>
      %get3A_59 = arith.constant 0 : index
      %get3A_60 = arith.constant 0 : index
      %get3A_61 = vector.load %arg3[%get3A_59, %get3A_60] : memref<1x64xf32, #tpu.memory_space<vmem>>, vector<1x64xf32>
      %mul3A = vector.broadcast %get3A_61 : vector<1x64xf32> to vector<64x64xf32>
      %mul3A_62 = arith.mulf %get3A_58, %mul3A : vector<64x64xf32>
      %swap3A_63 = arith.constant 0 : index
      %swap3A_64 = arith.constant 0 : index
      %swap3A_65 = vector.load %arg8[%swap3A_63, %swap3A_64] : memref<64x64xf32, #tpu.memory_space<vmem>>, vector<64x64xf32>
      tpu.vector_store %arg8[%swap3A_63, %swap3A_64], %mul3A_62 {strides = array<i32>} : memref<64x64xf32, #tpu.memory_space<vmem>>, vector<64x64xf32>,
      %get3A_66 = arith.constant 0 : index
      %get3A_67 = arith.constant 0 : index
      %get3A_68 = vector.load %arg2[%get3A_66, %get3A_67] : memref<64x64xf32, #tpu.memory_space<vmem>>, vector<64x64xf32>
      %gt3A = arith.constant 0.000000e+00 : f32
      %gt3A_69 = vector.broadcast %gt3A : f32 to vector<64x64xf32>
      %gt3A_70 = arith.cmpf ogt, %get3A_68, %gt3A_69 : vector<64x64xf32>
      %convert_element_type3A_71 = arith.extui %gt3A_70 : vector<64x64xi1> to vector<64x64xi32>
      %reduce_sum3A = arith.constant dense<0> : vector<64xi32>
      %reduce_sum3A_72 = vector.multi_reduction <add>, %convert_element_type3A_71, %reduce_sum3A [0] : vector<64x64xi32> to vector<64xi32>
      %iota3A = tpu.iota {dimensions = array<i32: 1>} : vector<1x64xi32>
      %iota3A_73 = vector.shape_cast %iota3A : vector<1x64xi32> to vector<64xi32>
      %gt3A_74 = arith.constant 0 : i32
      %gt3A_75 = vector.broadcast %gt3A_74 : i32 to vector<64xi32>
      %gt3A_76 = arith.cmpi sgt, %reduce_sum3A_72, %gt3A_75 : vector<64xi32>
      %gt3A_77 = arith.constant 0 : i32
      %gt3A_78 = vector.broadcast %gt3A_77 : i32 to vector<64xi32>
      %gt3A_79 = arith.cmpi sgt, %iota3A_73, %gt3A_78 : vector<64xi32>
      %and3A = arith.andi %gt3A_76, %gt3A_79 : vector<64xi1>
      %iota3A_80 = tpu.iota {dimensions = array<i32: 0>} : vector<64x64xi32>
      %iota3A_81 = tpu.iota {dimensions = array<i32: 1>} : vector<64x64xi32>
      %lt3A_82 = arith.cmpi slt, %iota3A_81, %iota3A_80 : vector<64x64xi32>
      %broadcast_in_dim3A_83 = vector.shape_cast %and3A : vector<64xi1> to vector<1x64xi1>
      %and3A_84 = vector.broadcast %broadcast_in_dim3A_83 : vector<1x64xi1> to vector<64x64xi1>
      %and3A_85 = arith.andi %lt3A_82, %and3A_84 : vector<64x64xi1>
      %convert_element_type3A_86 = arith.extui %and3A_85 : vector<64x64xi1> to vector<64x64xi32>
      %reduce_sum3A_87 = arith.constant dense<0> : vector<64xi32>
      %reduce_sum3A_88 = vector.multi_reduction <add>, %convert_element_type3A_86, %reduce_sum3A_87 [1] : vector<64x64xi32> to vector<64xi32>
      %add3A_89 = arith.constant 1 : i32
      %add3A_90 = vector.broadcast %add3A_89 : i32 to vector<64xi32>
      %add3A_91 = arith.addi %reduce_sum3A_88, %add3A_90 : vector<64xi32>
      %broadcast_in_dim3A_92 = vector.shape_cast %and3A : vector<64xi1> to vector<1x64xi1>
      %broadcast_in_dim3A_93 = vector.shape_cast %add3A_91 : vector<64xi32> to vector<1x64xi32>
      %eq3A_94 = vector.broadcast %broadcast_in_dim3A_93 : vector<1x64xi32> to vector<64x64xi32>
      %eq3A_95 = arith.cmpi eq, %eq3A_94, %iota3A_80 : vector<64x64xi32>
      %and3A_96 = vector.broadcast %broadcast_in_dim3A_92 : vector<1x64xi1> to vector<64x64xi1>
      %and3A_97 = arith.andi %and3A_96, %eq3A_95 : vector<64x64xi1>
      %jit3A = arith.constant 0 : i32
      %broadcast_in_dim3A_98 = vector.broadcast %jit3A : i32 to vector<64x64xi32>
      %select_n3A = arith.select %and3A_97, %iota3A_81, %broadcast_in_dim3A_98 : vector<64x64xi1>, vector<64x64xi32>
      %reduce_sum3A_99 = arith.constant dense<0> : vector<64xi32>
      %reduce_sum3A_100 = vector.multi_reduction <add>, %select_n3A, %reduce_sum3A_99 [1] : vector<64x64xi32> to vector<64xi32>
      %reshape3A = vector.shape_cast %reduce_sum3A_100 : vector<64xi32> to vector<1x64xi32>
      %swap3A_101 = arith.constant 0 : index
      %swap3A_102 = arith.constant 0 : index
      %swap3A_103 = vector.load %arg9[%swap3A_101, %swap3A_102] : memref<1x64xi32, #tpu.memory_space<vmem>>, vector<1x64xi32>
      tpu.vector_store %arg9[%swap3A_101, %swap3A_102], %reshape3A {strides = array<i32>} : memref<1x64xi32, #tpu.memory_space<vmem>>, vector<1x64xi32>,
      %convert_element_type3A_104 = arith.extui %and3A : vector<64xi1> to vector<64xi32>
      %reduce_sum3A_105 = vector.shape_cast %convert_element_type3A_104 : vector<64xi32> to vector<1x64xi32>
      %reduce_sum3A_106 = arith.constant dense<0> : vector<1xi32>
      %reduce_sum3A_107 = vector.multi_reduction <add>, %reduce_sum3A_105, %reduce_sum3A_106 [1] : vector<1x64xi32> to vector<1xi32>
      %reduce_sum3A_108 = vector.shape_cast %reduce_sum3A_107 : vector<1xi32> to vector<1x1xi32>
      %reduce_sum3A_109 = vector.extract %reduce_sum3A_108[0, 0] : i32 from vector<1x1xi32>
      %add3A_110 = arith.constant 1 : i32
      %add3A_111 = arith.addi %reduce_sum3A_109, %add3A_110 : i32
      %reshape3A_112 = vector.broadcast %add3A_111 : i32 to vector<1x1xi32>
      %swap3A_113 = arith.constant 0 : index
      %swap3A_114 = arith.constant 0 : index
      %swap3A_115 = vector.load %arg10[%swap3A_113, %swap3A_114] : memref<1x1xi32, #tpu.memory_space<vmem>>, vector<1x1xi32>
      tpu.vector_store %arg10[%swap3A_113, %swap3A_114], %reshape3A_112 {strides = array<i32>} : memref<1x1xi32, #tpu.memory_space<vmem>>, vector<1x1xi32>,
      %dma_start3A_116 = arith.constant 0 : i32
      %dma_start3A_117 = tpu.memref_slice %arg17[%dma_start3A_116] : memref<2x!tpu.dma_semaphore, #tpu.memory_space<semaphore_mem>> -> memref<1x!tpu.dma_semaphore, #tpu.memory_space<semaphore_mem>>
      %dma_start3A_118 = tpu.memref_squeeze %dma_start3A_117 : memref<1x!tpu.dma_semaphore, #tpu.memory_space<semaphore_mem>> -> memref<!tpu.dma_semaphore, #tpu.memory_space<semaphore_mem>>
      tpu.enqueue_dma source(%arg9 : memref<1x64xi32, #tpu.memory_space<vmem>>) target(%arg11 : memref<1x64xi32, #tpu.memory_space<smem>>) target_semaphore(%dma_start3A_118 : memref<!tpu.dma_semaphore, #tpu.memory_space<semaphore_mem>>)
      %dma_start3A_119 = arith.constant 1 : i32
      %dma_start3A_120 = tpu.memref_slice %arg17[%dma_start3A_119] : memref<2x!tpu.dma_semaphore, #tpu.memory_space<semaphore_mem>> -> memref<1x!tpu.dma_semaphore, #tpu.memory_space<semaphore_mem>>
      %dma_start3A_121 = tpu.memref_squeeze %dma_start3A_120 : memref<1x!tpu.dma_semaphore, #tpu.memory_space<semaphore_mem>> -> memref<!tpu.dma_semaphore, #tpu.memory_space<semaphore_mem>>
      tpu.enqueue_dma source(%arg10 : memref<1x1xi32, #tpu.memory_space<vmem>>) target(%arg12 : memref<1x1xi32, #tpu.memory_space<smem>>) target_semaphore(%dma_start3A_121 : memref<!tpu.dma_semaphore, #tpu.memory_space<semaphore_mem>>)
      %dma_wait3A = arith.constant 0 : i32
      %dma_wait3A_122 = tpu.memref_slice %arg17[%dma_wait3A] : memref<2x!tpu.dma_semaphore, #tpu.memory_space<semaphore_mem>> -> memref<1x!tpu.dma_semaphore, #tpu.memory_space<semaphore_mem>>
      %dma_wait3A_123 = tpu.memref_squeeze %dma_wait3A_122 : memref<1x!tpu.dma_semaphore, #tpu.memory_space<semaphore_mem>> -> memref<!tpu.dma_semaphore, #tpu.memory_space<semaphore_mem>>
      tpu.wait_dma2 semaphore(%dma_wait3A_123 : memref<!tpu.dma_semaphore, #tpu.memory_space<semaphore_mem>>) src(%arg9 : memref<1x64xi32, #tpu.memory_space<vmem>>) dst(%arg11 : memref<1x64xi32, #tpu.memory_space<smem>>)
      %dma_wait3A_124 = arith.constant 1 : i32
      %dma_wait3A_125 = tpu.memref_slice %arg17[%dma_wait3A_124] : memref<2x!tpu.dma_semaphore, #tpu.memory_space<semaphore_mem>> -> memref<1x!tpu.dma_semaphore, #tpu.memory_space<semaphore_mem>>
      %dma_wait3A_126 = tpu.memref_squeeze %dma_wait3A_125 : memref<1x!tpu.dma_semaphore, #tpu.memory_space<semaphore_mem>> -> memref<!tpu.dma_semaphore, #tpu.memory_space<semaphore_mem>>
      tpu.wait_dma2 semaphore(%dma_wait3A_126 : memref<!tpu.dma_semaphore, #tpu.memory_space<semaphore_mem>>) src(%arg10 : memref<1x1xi32, #tpu.memory_space<vmem>>) dst(%arg12 : memref<1x1xi32, #tpu.memory_space<smem>>)
    } else {
    }
    %get3A = arith.constant 0 : index
    %get3A_2 = arith.constant 0 : index
    %get3A_3 = memref.load %arg12[%get3A, %get3A_2] : memref<1x1xi32, #tpu.memory_space<smem>>
    %add3A = arith.constant 1 : i32
    %add3A_4 = arith.addi %arg0, %add3A : i32
    %lt3A = arith.cmpi slt, %add3A_4, %get3A_3 : i32
    %convert_element_type3A_5 = arith.extui %lt3A : i1 to i32
    %cond3A_6 = arith.constant 0 : i32
    %cond3A_7 = arith.cmpi ne, %convert_element_type3A_5, %cond3A_6 : i32
    scf.if %cond3A_7 {
      %add3A_12 = arith.constant 1 : i32
      %add3A_13 = arith.addi %arg0, %add3A_12 : i32
      %get3A_14 = arith.constant 0 : index
      %get3A_15 = arith.index_cast %add3A_13 : i32 to index
      %get3A_16 = memref.load %arg11[%get3A_14, %get3A_15] : memref<1x64xi32, #tpu.memory_space<smem>>
      %add3A_17 = arith.constant 1 : i32
      %add3A_18 = arith.addi %arg0, %add3A_17 : i32
      %rem3A = arith.constant 2 : i32
      %rem3A_19 = arith.remsi %add3A_18, %rem3A : i32
      %dma_start3A = arith.constant 0 : i32
      %dma_start3A_20 = tpu.memref_slice %arg16[%rem3A_19, %dma_start3A] : memref<2x3x!tpu.dma_semaphore, #tpu.memory_space<semaphore_mem>> -> memref<1x1x!tpu.dma_semaphore, #tpu.memory_space<semaphore_mem>>
      %dma_start3A_21 = tpu.memref_squeeze %dma_start3A_20 : memref<1x1x!tpu.dma_semaphore, #tpu.memory_space<semaphore_mem>> -> memref<!tpu.dma_semaphore, #tpu.memory_space<semaphore_mem>>
      %dma_start3A_22 = arith.constant 0 : i32
      %dma_start3A_23 = arith.constant 0 : i32
      %dma_start3A_24 = tpu.memref_slice %arg13[%rem3A_19, %dma_start3A_22, %dma_start3A_23] : memref<2x768x1024xf32, #tpu.memory_space<vmem>> -> memref<1x768x1024xf32, #tpu.memory_space<vmem>>
      %dma_start3A_25 = tpu.memref_squeeze %dma_start3A_24 : memref<1x768x1024xf32, #tpu.memory_space<vmem>> -> memref<768x1024xf32, #tpu.memory_space<vmem>>
      %dma_start3A_26 = arith.constant 0 : i32
      %dma_start3A_27 = arith.constant 0 : i32
      %dma_start3A_28 = tpu.memref_slice %arg4[%get3A_16, %dma_start3A_26, %dma_start3A_27] : memref<64x768x1024xf32, #tpu.memory_space<any>> -> memref<1x768x1024xf32, #tpu.memory_space<any>>
      %dma_start3A_29 = tpu.memref_squeeze %dma_start3A_28 : memref<1x768x1024xf32, #tpu.memory_space<any>> -> memref<768x1024xf32, #tpu.memory_space<any>>
      tpu.enqueue_dma source(%dma_start3A_29 : memref<768x1024xf32, #tpu.memory_space<any>>) target(%dma_start3A_25 : memref<768x1024xf32, #tpu.memory_space<vmem>>) target_semaphore(%dma_start3A_21 : memref<!tpu.dma_semaphore, #tpu.memory_space<semaphore_mem>>)
      %dma_start3A_30 = arith.constant 1 : i32
      %dma_start3A_31 = tpu.memref_slice %arg16[%rem3A_19, %dma_start3A_30] : memref<2x3x!tpu.dma_semaphore, #tpu.memory_space<semaphore_mem>> -> memref<1x1x!tpu.dma_semaphore, #tpu.memory_space<semaphore_mem>>
      %dma_start3A_32 = tpu.memref_squeeze %dma_start3A_31 : memref<1x1x!tpu.dma_semaphore, #tpu.memory_space<semaphore_mem>> -> memref<!tpu.dma_semaphore, #tpu.memory_space<semaphore_mem>>
      %dma_start3A_33 = arith.constant 0 : i32
      %dma_start3A_34 = arith.constant 0 : i32
      %dma_start3A_35 = tpu.memref_slice %arg14[%rem3A_19, %dma_start3A_33, %dma_start3A_34] : memref<2x768x1024xf32, #tpu.memory_space<vmem>> -> memref<1x768x1024xf32, #tpu.memory_space<vmem>>
      %dma_start3A_36 = tpu.memref_squeeze %dma_start3A_35 : memref<1x768x1024xf32, #tpu.memory_space<vmem>> -> memref<768x1024xf32, #tpu.memory_space<vmem>>
      %dma_start3A_37 = arith.constant 0 : i32
      %dma_start3A_38 = arith.constant 0 : i32
      %dma_start3A_39 = tpu.memref_slice %arg5[%get3A_16, %dma_start3A_37, %dma_start3A_38] : memref<64x768x1024xf32, #tpu.memory_space<any>> -> memref<1x768x1024xf32, #tpu.memory_space<any>>
      %dma_start3A_40 = tpu.memref_squeeze %dma_start3A_39 : memref<1x768x1024xf32, #tpu.memory_space<any>> -> memref<768x1024xf32, #tpu.memory_space<any>>
      tpu.enqueue_dma source(%dma_start3A_40 : memref<768x1024xf32, #tpu.memory_space<any>>) target(%dma_start3A_36 : memref<768x1024xf32, #tpu.memory_space<vmem>>) target_semaphore(%dma_start3A_32 : memref<!tpu.dma_semaphore, #tpu.memory_space<semaphore_mem>>)
      %dma_start3A_41 = arith.constant 2 : i32
      %dma_start3A_42 = tpu.memref_slice %arg16[%rem3A_19, %dma_start3A_41] : memref<2x3x!tpu.dma_semaphore, #tpu.memory_space<semaphore_mem>> -> memref<1x1x!tpu.dma_semaphore, #tpu.memory_space<semaphore_mem>>
      %dma_start3A_43 = tpu.memref_squeeze %dma_start3A_42 : memref<1x1x!tpu.dma_semaphore, #tpu.memory_space<semaphore_mem>> -> memref<!tpu.dma_semaphore, #tpu.memory_space<semaphore_mem>>
      %dma_start3A_44 = arith.constant 0 : i32
      %dma_start3A_45 = arith.constant 0 : i32
      %dma_start3A_46 = tpu.memref_slice %arg15[%rem3A_19, %dma_start3A_44, %dma_start3A_45] : memref<2x1024x768xf32, #tpu.memory_space<vmem>> -> memref<1x1024x768xf32, #tpu.memory_space<vmem>>
      %dma_start3A_47 = tpu.memref_squeeze %dma_start3A_46 : memref<1x1024x768xf32, #tpu.memory_space<vmem>> -> memref<1024x768xf32, #tpu.memory_space<vmem>>
      %dma_start3A_48 = arith.constant 0 : i32
      %dma_start3A_49 = arith.constant 0 : i32
      %dma_start3A_50 = tpu.memref_slice %arg6[%get3A_16, %dma_start3A_48, %dma_start3A_49] : memref<64x1024x768xf32, #tpu.memory_space<any>> -> memref<1x1024x768xf32, #tpu.memory_space<any>>
      %dma_start3A_51 = tpu.memref_squeeze %dma_start3A_50 : memref<1x1024x768xf32, #tpu.memory_space<any>> -> memref<1024x768xf32, #tpu.memory_space<any>>
      tpu.enqueue_dma source(%dma_start3A_51 : memref<1024x768xf32, #tpu.memory_space<any>>) target(%dma_start3A_47 : memref<1024x768xf32, #tpu.memory_space<vmem>>) target_semaphore(%dma_start3A_43 : memref<!tpu.dma_semaphore, #tpu.memory_space<semaphore_mem>>)
    } else {
    }
    %lt3A_8 = arith.cmpi slt, %arg0, %get3A_3 : i32
    %convert_element_type3A_9 = arith.extui %lt3A_8 : i1 to i32
    %cond3A_10 = arith.constant 0 : i32
    %cond3A_11 = arith.cmpi ne, %convert_element_type3A_9, %cond3A_10 : i32
    scf.if %cond3A_11 {
      %rem3A = arith.constant 2 : i32
      %rem3A_12 = arith.remsi %arg0, %rem3A : i32
      %get3A_13 = arith.constant 0 : index
      %get3A_14 = arith.index_cast %arg0 : i32 to index
      %get3A_15 = memref.load %arg11[%get3A_13, %get3A_14] : memref<1x64xi32, #tpu.memory_space<smem>>
      %dma_wait3A = arith.constant 0 : i32
      %dma_wait3A_16 = tpu.memref_slice %arg16[%rem3A_12, %dma_wait3A] : memref<2x3x!tpu.dma_semaphore, #tpu.memory_space<semaphore_mem>> -> memref<1x1x!tpu.dma_semaphore, #tpu.memory_space<semaphore_mem>>
      %dma_wait3A_17 = tpu.memref_squeeze %dma_wait3A_16 : memref<1x1x!tpu.dma_semaphore, #tpu.memory_space<semaphore_mem>> -> memref<!tpu.dma_semaphore, #tpu.memory_space<semaphore_mem>>
      %dma_wait3A_18 = arith.constant 0 : i32
      %dma_wait3A_19 = arith.constant 0 : i32
      %dma_wait3A_20 = tpu.memref_slice %arg13[%rem3A_12, %dma_wait3A_18, %dma_wait3A_19] : memref<2x768x1024xf32, #tpu.memory_space<vmem>> -> memref<1x768x1024xf32, #tpu.memory_space<vmem>>
      %dma_wait3A_21 = tpu.memref_squeeze %dma_wait3A_20 : memref<1x768x1024xf32, #tpu.memory_space<vmem>> -> memref<768x1024xf32, #tpu.memory_space<vmem>>
      %dma_wait3A_22 = arith.constant 0 : i32
      %dma_wait3A_23 = arith.constant 0 : i32
      %dma_wait3A_24 = tpu.memref_slice %arg4[%get3A_15, %dma_wait3A_22, %dma_wait3A_23] : memref<64x768x1024xf32, #tpu.memory_space<any>> -> memref<1x768x1024xf32, #tpu.memory_space<any>>
      %dma_wait3A_25 = tpu.memref_squeeze %dma_wait3A_24 : memref<1x768x1024xf32, #tpu.memory_space<any>> -> memref<768x1024xf32, #tpu.memory_space<any>>
      tpu.wait_dma2 semaphore(%dma_wait3A_17 : memref<!tpu.dma_semaphore, #tpu.memory_space<semaphore_mem>>) src(%dma_wait3A_25 : memref<768x1024xf32, #tpu.memory_space<any>>) dst(%dma_wait3A_21 : memref<768x1024xf32, #tpu.memory_space<vmem>>)
      %dma_wait3A_26 = arith.constant 1 : i32
      %dma_wait3A_27 = tpu.memref_slice %arg16[%rem3A_12, %dma_wait3A_26] : memref<2x3x!tpu.dma_semaphore, #tpu.memory_space<semaphore_mem>> -> memref<1x1x!tpu.dma_semaphore, #tpu.memory_space<semaphore_mem>>
      %dma_wait3A_28 = tpu.memref_squeeze %dma_wait3A_27 : memref<1x1x!tpu.dma_semaphore, #tpu.memory_space<semaphore_mem>> -> memref<!tpu.dma_semaphore, #tpu.memory_space<semaphore_mem>>
      %dma_wait3A_29 = arith.constant 0 : i32
      %dma_wait3A_30 = arith.constant 0 : i32
      %dma_wait3A_31 = tpu.memref_slice %arg14[%rem3A_12, %dma_wait3A_29, %dma_wait3A_30] : memref<2x768x1024xf32, #tpu.memory_space<vmem>> -> memref<1x768x1024xf32, #tpu.memory_space<vmem>>
      %dma_wait3A_32 = tpu.memref_squeeze %dma_wait3A_31 : memref<1x768x1024xf32, #tpu.memory_space<vmem>> -> memref<768x1024xf32, #tpu.memory_space<vmem>>
      %dma_wait3A_33 = arith.constant 0 : i32
      %dma_wait3A_34 = arith.constant 0 : i32
      %dma_wait3A_35 = tpu.memref_slice %arg5[%get3A_15, %dma_wait3A_33, %dma_wait3A_34] : memref<64x768x1024xf32, #tpu.memory_space<any>> -> memref<1x768x1024xf32, #tpu.memory_space<any>>
      %dma_wait3A_36 = tpu.memref_squeeze %dma_wait3A_35 : memref<1x768x1024xf32, #tpu.memory_space<any>> -> memref<768x1024xf32, #tpu.memory_space<any>>
      tpu.wait_dma2 semaphore(%dma_wait3A_28 : memref<!tpu.dma_semaphore, #tpu.memory_space<semaphore_mem>>) src(%dma_wait3A_36 : memref<768x1024xf32, #tpu.memory_space<any>>) dst(%dma_wait3A_32 : memref<768x1024xf32, #tpu.memory_space<vmem>>)
      %dma_wait3A_37 = arith.constant 2 : i32
      %dma_wait3A_38 = tpu.memref_slice %arg16[%rem3A_12, %dma_wait3A_37] : memref<2x3x!tpu.dma_semaphore, #tpu.memory_space<semaphore_mem>> -> memref<1x1x!tpu.dma_semaphore, #tpu.memory_space<semaphore_mem>>
      %dma_wait3A_39 = tpu.memref_squeeze %dma_wait3A_38 : memref<1x1x!tpu.dma_semaphore, #tpu.memory_space<semaphore_mem>> -> memref<!tpu.dma_semaphore, #tpu.memory_space<semaphore_mem>>
      %dma_wait3A_40 = arith.constant 0 : i32
      %dma_wait3A_41 = arith.constant 0 : i32
      %dma_wait3A_42 = tpu.memref_slice %arg15[%rem3A_12, %dma_wait3A_40, %dma_wait3A_41] : memref<2x1024x768xf32, #tpu.memory_space<vmem>> -> memref<1x1024x768xf32, #tpu.memory_space<vmem>>
      %dma_wait3A_43 = tpu.memref_squeeze %dma_wait3A_42 : memref<1x1024x768xf32, #tpu.memory_space<vmem>> -> memref<1024x768xf32, #tpu.memory_space<vmem>>
      %dma_wait3A_44 = arith.constant 0 : i32
      %dma_wait3A_45 = arith.constant 0 : i32
      %dma_wait3A_46 = tpu.memref_slice %arg6[%get3A_15, %dma_wait3A_44, %dma_wait3A_45] : memref<64x1024x768xf32, #tpu.memory_space<any>> -> memref<1x1024x768xf32, #tpu.memory_space<any>>
      %dma_wait3A_47 = tpu.memref_squeeze %dma_wait3A_46 : memref<1x1024x768xf32, #tpu.memory_space<any>> -> memref<1024x768xf32, #tpu.memory_space<any>>
      tpu.wait_dma2 semaphore(%dma_wait3A_39 : memref<!tpu.dma_semaphore, #tpu.memory_space<semaphore_mem>>) src(%dma_wait3A_47 : memref<1024x768xf32, #tpu.memory_space<any>>) dst(%dma_wait3A_43 : memref<1024x768xf32, #tpu.memory_space<vmem>>)
      %get3A_48 = arith.constant 0 : index
      %get3A_49 = arith.constant 0 : index
      %get3A_50 = vector.load %arg1[%get3A_48, %get3A_49] : memref<64x768xf32, #tpu.memory_space<vmem>>, vector<64x768xf32>
      %get3A_51 = arith.index_cast %rem3A_12 : i32 to index
      %get3A_52 = arith.constant 0 : index
      %get3A_53 = arith.constant 0 : index
      %get3A_54 = vector.load %arg13[%get3A_51, %get3A_52, %get3A_53] : memref<2x768x1024xf32, #tpu.memory_space<vmem>>, vector<1x768x1024xf32>
      %get3A_55 = vector.shape_cast %get3A_54 : vector<1x768x1024xf32> to vector<768x1024xf32>
      %dot_general3A = arith.constant dense<0.000000e+00> : vector<64x1024xf32>
      %dot_general3A_56 = tpu.matmul %get3A_50, %get3A_55, %dot_general3A {dimension_numbers = #tpu.dot_dimension_numbers<[1], [0], [0], [1], [0, 0, 1, 1], [], []>, transpose_lhs_hint = false} : vector<64x768xf32>, vector<768x1024xf32>, vector<64x1024xf32> -> vector<64x1024xf32>
      %integer_pow3A = arith.mulf %dot_general3A_56, %dot_general3A_56 : vector<64x1024xf32>
      %integer_pow3A_57 = arith.mulf %dot_general3A_56, %integer_pow3A : vector<64x1024xf32>
      %mul3A = arith.constant 4.471500e-02 : f32
      %mul3A_58 = vector.broadcast %mul3A : f32 to vector<64x1024xf32>
      %mul3A_59 = arith.mulf %mul3A_58, %integer_pow3A_57 : vector<64x1024xf32>
      %add3A_60 = arith.addf %dot_general3A_56, %mul3A_59 : vector<64x1024xf32>
      %mul3A_61 = arith.constant 0.797884583 : f32
      %mul3A_62 = vector.broadcast %mul3A_61 : f32 to vector<64x1024xf32>
      %mul3A_63 = arith.mulf %mul3A_62, %add3A_60 : vector<64x1024xf32>
      %tanh3A = math.tanh %mul3A_63 : vector<64x1024xf32>
      %add3A_64 = arith.constant 1.000000e+00 : f32
      %add3A_65 = vector.broadcast %add3A_64 : f32 to vector<64x1024xf32>
      %add3A_66 = arith.addf %add3A_65, %tanh3A : vector<64x1024xf32>
      %mul3A_67 = arith.constant 5.000000e-01 : f32
      %mul3A_68 = vector.broadcast %mul3A_67 : f32 to vector<64x1024xf32>
      %mul3A_69 = arith.mulf %mul3A_68, %add3A_66 : vector<64x1024xf32>
      %mul3A_70 = arith.mulf %dot_general3A_56, %mul3A_69 : vector<64x1024xf32>
      %get3A_71 = arith.index_cast %rem3A_12 : i32 to index
      %get3A_72 = arith.constant 0 : index
      %get3A_73 = arith.constant 0 : index
      %get3A_74 = vector.load %arg14[%get3A_71, %get3A_72, %get3A_73] : memref<2x768x1024xf32, #tpu.memory_space<vmem>>, vector<1x768x1024xf32>
      %get3A_75 = vector.shape_cast %get3A_74 : vector<1x768x1024xf32> to vector<768x1024xf32>
      %dot_general3A_76 = arith.constant dense<0.000000e+00> : vector<64x1024xf32>
      %dot_general3A_77 = tpu.matmul %get3A_50, %get3A_75, %dot_general3A_76 {dimension_numbers = #tpu.dot_dimension_numbers<[1], [0], [0], [1], [0, 0, 1, 1], [], []>, transpose_lhs_hint = false} : vector<64x768xf32>, vector<768x1024xf32>, vector<64x1024xf32> -> vector<64x1024xf32>
      %mul3A_78 = arith.mulf %mul3A_70, %dot_general3A_77 : vector<64x1024xf32>
      %get3A_79 = arith.index_cast %rem3A_12 : i32 to index
      %get3A_80 = arith.constant 0 : index
      %get3A_81 = arith.constant 0 : index
      %get3A_82 = vector.load %arg15[%get3A_79, %get3A_80, %get3A_81] : memref<2x1024x768xf32, #tpu.memory_space<vmem>>, vector<1x1024x768xf32>
      %get3A_83 = vector.shape_cast %get3A_82 : vector<1x1024x768xf32> to vector<1024x768xf32>
      %dot_general3A_84 = arith.constant dense<0.000000e+00> : vector<64x768xf32>
      %dot_general3A_85 = tpu.matmul %mul3A_78, %get3A_83, %dot_general3A_84 {dimension_numbers = #tpu.dot_dimension_numbers<[1], [0], [0], [1], [0, 0, 1, 1], [], []>, transpose_lhs_hint = false} : vector<64x1024xf32>, vector<1024x768xf32>, vector<64x768xf32> -> vector<64x768xf32>
      %iota3A = tpu.iota {dimensions = array<i32: 1>} : vector<64x64xi32>
      %eq3A_86 = vector.broadcast %get3A_15 : i32 to vector<64x64xi32>
      %eq3A_87 = arith.cmpi eq, %iota3A, %eq3A_86 : vector<64x64xi32>
      %get3A_88 = arith.constant 0 : index
      %get3A_89 = arith.constant 0 : index
      %get3A_90 = vector.load %arg8[%get3A_88, %get3A_89] : memref<64x64xf32, #tpu.memory_space<vmem>>, vector<64x64xf32>
      %jit3A = arith.constant 0.000000e+00 : f32
      %broadcast_in_dim3A = vector.broadcast %jit3A : f32 to vector<64x64xf32>
      %select_n3A = arith.select %eq3A_87, %get3A_90, %broadcast_in_dim3A : vector<64x64xi1>, vector<64x64xf32>
      %reduce_sum3A = arith.constant dense<0.000000e+00> : vector<64xf32>
      %reduce_sum3A_91 = vector.multi_reduction <add>, %select_n3A, %reduce_sum3A [1] : vector<64x64xf32> to vector<64xf32>
      %broadcast_in_dim3A_92 = vector.shape_cast %reduce_sum3A_91 : vector<64xf32> to vector<64x1xf32>
      %get3A_93 = arith.constant 0 : index
      %get3A_94 = arith.constant 0 : index
      %get3A_95 = vector.load %arg7[%get3A_93, %get3A_94] : memref<64x768xf32, #tpu.memory_space<vmem>>, vector<64x768xf32>
      %mul3A_96 = vector.broadcast %broadcast_in_dim3A_92 : vector<64x1xf32> to vector<64x768xf32>
      %mul3A_97 = arith.mulf %dot_general3A_85, %mul3A_96 : vector<64x768xf32>
      %add3A_98 = arith.addf %get3A_95, %mul3A_97 : vector<64x768xf32>
      %swap3A = arith.constant 0 : index
      %swap3A_99 = arith.constant 0 : index
      %swap3A_100 = vector.load %arg7[%swap3A, %swap3A_99] : memref<64x768xf32, #tpu.memory_space<vmem>>, vector<64x768xf32>
      tpu.vector_store %arg7[%swap3A, %swap3A_99], %add3A_98 {strides = array<i32>} : memref<64x768xf32, #tpu.memory_space<vmem>>, vector<64x768xf32>,
    } else {
    }
    return
  }
  func.func @transform_0(%arg0: i32) -> (i32, i32) {
    %c0_i32 = arith.constant 0 : i32
    %c0_i32_0 = arith.constant 0 : i32
    %c0_i32_1 = arith.constant 0 : i32
    return %c0_i32, %c0_i32_0 : i32, i32
  }
  func.func @transform_1(%arg0: i32) -> (i32, i32) {
    %c0_i32 = arith.constant 0 : i32
    %c0_i32_0 = arith.constant 0 : i32
    %c0_i32_1 = arith.constant 0 : i32
    return %c0_i32, %c0_i32_0 : i32, i32
  }
  func.func @transform_2(%arg0: i32) -> (i32, i32) {
    %c0_i32 = arith.constant 0 : i32
    %c0_i32_0 = arith.constant 0 : i32
    %c0_i32_1 = arith.constant 0 : i32
    return %c0_i32, %c0_i32_0 : i32, i32
  }
  func.func @transform_6(%arg0: i32) -> (i32, i32) {
    %c0_i32 = arith.constant 0 : i32
    %c0_i32_0 = arith.constant 0 : i32
    %c0_i32_1 = arith.constant 0 : i32
    return %c0_i32, %c0_i32_0 : i32, i32
  }
}

</mosaic_0001>

<sc_bundles>
// kernel: kernel.4.cloned.1.call-start
scs
__scs_entry_jumppad:
0x0: {  	(pc) =	sbr.rel $0x88, $3  }
0x1: {  	(tag) =	ssettag $0x0;
	lr =	simm.s32 $0x1  }
0x2: {  	[smem:$0x3F9B] =	sst lr;
	_ =	strace $0xD0000000  }
0x3: {  	_ = 	snop  }
0x4: {  	_ = 	snop  }
0x5: {  	_ = 	snop  }
0x6: {  	_ = 	snop  }
0x7: {  	_ = 	snop  }
__scs_overlays_trampoline_lowered:
0x8: {  	[smem:$0x3FAA] =	sst s0  }
0x9: {  	[smem:$0x3FAB] =	sst s1  }
0xa: {  	[smem:$0x3FAC] =	sst s2  }
0xb: {  	[smem:$0x3FAD] =	sst s3  }
0xc: {  	[smem:$0x3FAE] =	sst s4  }
0xd: {  	[smem:$0x3FAF] =	sst s5  }
0xe: {  	[smem:$0x3FB0] =	sst s6  }
0xf: {  	[smem:$0x3FB1] =	sst s7  }
0x10: {  	[smem:$0x3FB2] =	sst s8  }
0x11: {  	[smem:$0x3FB3] =	sst s9;
	s0 =	simm.s32 @!p0 $0x0  }
0x12: {  	s1 =	sld [smem:$0x3F99];
	s0 =	simm.s32 @p0 $0x1  }
0x13: {  	[smem:$0x3FB4] =	sst s0;
	s0 =	simm.s32 @!p1 $0x0  }
0x14: {  	s2 =	sld [smem:$0x3F98];
	s0 =	simm.s32 @p1 $0x1  }
0x15: {  	[smem:$0x3FB5] =	sst s0;
	s0 =	simm.s32 @!p2 $0x0  }
0x16: {  	s3 =	sld [smem:$0x3FDB];
	s0 =	simm.s32 @p2 $0x1  }
0x17: {  	s4 =	simm.s32 $0x1BF5;
	[smem:$0x3FB7] =	sst s0  }
0x18: {  	s0 =	sld [smem:$0x3F9A];
	_ =	swait.ge [sflag:s4], $0x0  }
0x19: {  	s7 =	sld [smem:$0x3F9B]  }
0x1a: {  	s8 =	sadd.s32 $0xFFFFE003, lr  }
0x1b: {  	s9 =	sadd.s32 $0xFFFFFEF7, lr;
	s5 =	simm.s32 $0xFFFFFFFF;
	p2 =	slt.u32 s8, $0xFFFFF086  }
0x1c: {  	p1 =	slt.u32 s9, $0xF7A;
	s5 =	simm.s32 @!p2 $0x0  }
0x1d: {  	s5 =	simm.s32 @p1 $0x1;
	p0 =	seq.s32 s7, s2  }
0x1e: {  	s7 =	smul.u32 @!p0 $0xF7A, s2;
	p2 =	seq.s32 @!p0 s5, $0x0  }
0x1f: {  	s9 =	smul.u32 $0xF7A, s1;
	s8 =	simm.s32 @!p0 $0x1BF5;
	p2 =	por !p2, p0  }
0x20: {  	[sflag:s8] =	ssyncset.s32 @!p0 $0xFFFFF086;
	s6 =	sadd.s32 @!p0 s3, s7;
	s7 =	simm.s32 @!p0 $0x108  }
0x21: {  	s3 =	sadd.s32 s3, s9;
	s6 =	sadd.s32 @!p0 $0x88, s6;
	s7 =	simm.s32 @p2 $0x1082  }
0x22: {  	[simem:s7], [sflag:s8] =	dma.local @!p0 [hbm:s6], $0xF7A  }
0x23: {  	s9 =	sor.u32 $0xD0000000, s2;
	s6 =	simm.s32 $0x108;
	_ =	swait.ge @!p0 [sflag:s8], $0x0  }
0x24: {  	s3 =	sadd.s32 $0x88, s3;
	s6 =	simm.s32 @!p1 $0x1082;
	[sflag:s4] =	ssyncset.s32 $0xFFFFF086  }
0x25: {  	[simem:s6], [sflag:s4] =	dma.local [hbm:s3], $0xF7A  }
0x26: {  	[smem:$0x3F9B] =	sst s1;
	(tag) =	ssettag s2;
	_ =	strace s9  }
0x27: {  	s1 =	sld [smem:$0x3FAB]  }
0x28: {  	s2 =	sld [smem:$0x3FAC]  }
0x29: {  	s4 =	sld [smem:$0x3FAE]  }
0x2a: {  	p0 =	seq.s32 s5, $0x0;
	s5 =	sld [smem:$0x3FAF]  }
0x2b: {  	s6 =	sld [smem:$0x3FB0]  }
0x2c: {  	s7 =	sld [smem:$0x3FB1]  }
0x2d: {  	s3 =	simm.s32 $0x108;
	s8 =	sld [smem:$0x3FB2]  }
0x2e: {  	s3 =	simm.s32 @!p0 $0x1082;
	s9 =	sld [smem:$0x3FB3]  }
0x2f: {  	lr =	sadd.s32 s0, s3;
	s0 =	sld [smem:$0x3FAA]  }
0x30: {  	s3 =	sld [smem:$0x3FAD]  }
0x31: {  	[smem:$0x3FB6] =	sst s10  }
0x32: {  	s10 =	sld [smem:$0x3FB4];
	_ =	sdelay $0x3  }
0x33: {  	p0 =	seq.s32 s10, $0x1;
	s10 =	sld [smem:$0x3FB6];
	_ =	sdelay $0x3  }
0x34: {  	[smem:$0x3FB6] =	sst s10  }
0x35: {  	s10 =	sld [smem:$0x3FB5];
	_ =	sdelay $0x3  }
0x36: {  	p1 =	seq.s32 s10, $0x1;
	s10 =	sld [smem:$0x3FB6];
	_ =	sdelay $0x3  }
0x37: {  	[smem:$0x3FB6] =	sst s10  }
0x38: {  	s10 =	sld [smem:$0x3FB7]  }
0x39: {  	_ = 	snop;
	(pc) =	sbr.ind lr, $3  }
0x3a: {  	_ = 	snop  }
0x3b: {  	_ = 	snop  }
0x3c: {  	p2 =	seq.s32 s10, $0x1;
	s10 =	sld [smem:$0x3FB6]  }
0x3d: {  	_ =	shalt  }
0x3e: {  	_ =	shalt  }
0x3f: {  	_ =	shalt  }
0x40: {  	_ =	shalt  }
0x41: {  	_ =	shalt  }
0x42: {  	_ =	shalt  }
0x43: {  	_ =	shalt  }
0x44: {  	_ =	shalt  }
0x45: {  	_ =	shalt  }
0x46: {  	_ =	shalt  }
0x47: {  	_ =	shalt  }
0x48: {  	_ =	shalt  }
0x49: {  	_ =	shalt  }
0x4a: {  	_ =	shalt  }
0x4b: {  	_ =	shalt  }
0x4c: {  	_ =	shalt  }
0x4d: {  	_ =	shalt  }
0x4e: {  	_ =	shalt  }
0x4f: {  	_ =	shalt  }
0x50: {  	_ =	shalt  }
0x51: {  	_ =	shalt  }
0x52: {  	_ =	shalt  }
0x53: {  	_ =	shalt  }
0x54: {  	_ =	shalt  }
0x55: {  	_ =	shalt  }
0x56: {  	_ =	shalt  }
0x57: {  	_ =	shalt  }
0x58: {  	_ =	shalt  }
0x59: {  	_ =	shalt  }
0x5a: {  	_ =	shalt  }
0x5b: {  	_ =	shalt  }
0x5c: {  	_ =	shalt  }
0x5d: {  	_ =	shalt  }
0x5e: {  	_ =	shalt  }
0x5f: {  	_ =	shalt  }
0x60: {  	_ =	shalt  }
0x61: {  	_ =	shalt  }
0x62: {  	_ =	shalt  }
0x63: {  	_ =	shalt  }
0x64: {  	_ =	shalt  }
0x65: {  	_ =	shalt  }
0x66: {  	_ =	shalt  }
0x67: {  	_ =	shalt  }
0x68: {  	_ =	shalt  }
0x69: {  	_ =	shalt  }
0x6a: {  	_ =	shalt  }
0x6b: {  	_ =	shalt  }
0x6c: {  	_ =	shalt  }
0x6d: {  	_ =	shalt  }
0x6e: {  	_ =	shalt  }
0x6f: {  	_ =	shalt  }
0x70: {  	_ =	shalt  }
0x71: {  	_ =	shalt  }
0x72: {  	_ =	shalt  }
0x73: {  	_ =	shalt  }
0x74: {  	_ =	shalt  }
0x75: {  	_ =	shalt  }
0x76: {  	_ =	shalt  }
0x77: {  	_ =	shalt  }
0x78: {  	_ =	shalt  }
0x79: {  	_ =	shalt  }
0x7a: {  	_ =	shalt  }
0x7b: {  	_ =	shalt  }
0x7c: {  	_ =	shalt  }
0x7d: {  	_ =	shalt  }
0x7e: {  	_ =	shalt  }
0x7f: {  	_ =	shalt  }
0x80: {  	_ =	shalt  }
0x81: {  	_ =	shalt  }
0x82: {  	_ =	shalt  }
0x83: {  	_ =	shalt  }
0x84: {  	_ =	shalt  }
0x85: {  	_ =	shalt  }
0x86: {  	_ =	shalt  }
0x87: {  	_ =	shalt  }
.Lfunc_end0:
.L_simem_size_0:
called_computation_lowered:
.L_overlay_start_0:
0x88: {  	s2 =	sld [smem:$0x3FD9]  }
0x89: {  	s3 =	sld [smem:$0x3FFE];
	_ =	sdelay $0x1  }
0x8a: {  	s1 =	srdreg.scid  }
0x8b: {  	s0 =	sand.u32 $0x1, s1  }
0x8c: {  	s18 =	sshll.u32 s0, $0xA;
	s2 =	sadd.s32 s3, s2  }
0x8d: {  	s2 =	sadd.s32 s2, s18  }
0x8e: {  	[smem:$0x3FC2] =	sst s2  }
0x8f: {  	_ = 	snop  }
0x90: {  	s2 =	sld [smem:$0x3FC8]  }
0x91: {  	s19 =	sld [smem:$0x3FD0];
	(tm) =	ssettm $0x1  }
0x92: {  	s4 =	sld [smem:$0x3FFB];
	_ =	sdelay $0x3  }
0x93: {  	_ =	strace s4  }
0x94: {  	s4 =	sld [smem:$0x3FFC];
	_ =	sdelay $0x3  }
0x95: {  	_ =	strace s4  }
0x96: {  	s4 =	sld [smem:$0x3FFD];
	_ =	sdelay $0x3  }
0x97: {  	_ =	strace s4  }
0x98: {  	_ =	strace $0x8FFFFFFF  }
0x99: {  	s20 =	sld [smem:$0x3FDB];
	_ =	sdelay $0x1  }
0x9a: {  	s5 =	simm.s32 $_scs_section_size  }
0x9b: {  	s6 =	simm.s32 $_size__tile_overlayer_lowered;
	s7 =	simm.s32 $_tile_overlayer_lowered  }
0x9c: {  	s23 =	simm.s32 $0x1BFF;
	s22 =	sshll.u32 s7, $0x1;
	s4 =	sadd.s32 s5, s20  }
0x9d: {  	s8 =	simm.s32 $0x0;
	s21 =	sshll.u32 s6, $0x1;
	s6 =	sadd.s32 s22, s4  }
0x9e: {  	[timem:s8], [sflag:s23] =	dma.local [hbm:s6], s21  }
0x9f: {  	_ =	swait.ge [sflag:s23], s21  }
0xa0: {  	s5 =	ssub.s32 $0x0, s21;
	[sflag:s23] =	ssyncset.done $0x0  }
0xa1: {  	[sflag:s23] =	ssyncadd.s32 s5;
	_ =	sdelay $0x1  }
0xa2: {  	s24 =	simm.s32 $0x1B8B  }
0xa3: {  	_ =	swait.ge [sflag:s24], $0x1  }
0xa4: {  	[sflag:s24] =	ssyncset.done $0x0  }
0xa5: {  	s25 =	simm.s32 $0x1B8E;
	[sflag:s24] =	ssyncadd.s32 $0xFFFFFFFF  }
0xa6: {  	s26 =	simm.s32 $execute0_lowered;
	[smem:$0x3FD2] =	sst s25  }
0xa7: {  	s5 =	sshll.u32 s26, $0x1;
	_ =	strace $0x80000046;
	[dreg:$0x1] =	wrdreg $0xFFFFFFFF  }
0xa8: {  	s28 =	simm.s32 $_size_execute0_lowered;
	s4 =	sadd.s32 s4, s5;
	[dreg:$0x0] =	wrdreg $0x0  }
0xa9: {  	s5 =	sshll.u32 s28, $0x1;
	[dreg:$0x2] =	wrdreg s4  }
0xaa: {  	[dreg:$0x3] =	wrdreg s5  }
0xab: {  	[dreg:$0x4] =	wrdreg $0xC0  }
0xac: {  	_ =	task [dreg:s8], $0x5FFFF  }
0xad: {  	[dreg:$0x1] =	wrdreg $0xFFFFFFFF  }
0xae: {  	[dreg:$0x0] =	wrdreg $0x60  }
0xaf: {  	[dreg:$0x2] =	wrdreg s2  }
0xb0: {  	[dreg:$0x3] =	wrdreg s19  }
0xb1: {  	[dreg:$0x4] =	wrdreg $0x9  }
0xb2: {  	_ =	task.clear_ibuf [dreg:s8], $0x5FFFF;
	_ =	strace $0x90000046  }
0xb3: {  	s29 =	simm.s32 $0x9;
	_ =	strace $0x80000048  }
0xb4: {  	_ =	swait.ge [sflag:s29], $0x1  }
0xb5: {  	[sflag:s29] =	ssyncadd.s32 $0xFFFFFFFF  }
0xb6: {  	_ =	strace $0x90000048  }
0xb7: {  	_ =	sfence  }
0xb8: {  	s30 =	sld [smem:$0x0];
	_ =	sdelay $0x2  }
0xb9: {  	s31 =	sshll.u32 s1, $0xD;
	s1 =	sshrl.u32 s1, $0x2  }
0xba: {  	s3 =	sand.u32 $0x4000, s31;
	s1 =	sadd.s32 s1, s30  }
0xbb: {  	s0 =	sor.u32 s3, s0;
	s1 =	sshll.u32 s1, $0x11  }
0xbc: {  	s0 =	sor.u32 s1, s0  }
0xbd: {  	s0 =	sadd.s32 $0x8F2B, s0  }
0xbe: {  	[sflag:s0] =	ssyncadd.remote.s32 $0x1  }
0xbf: {  	_ =	sfence.sel $0xFFFF  }
0xc0: {  	[dreg:$0x0] =	wrdreg $0xFFFFFFFF;
	(pc) =	sbr.abs _section_cstart, $3  }
0xc1: {  	[dreg:$0x1] =	wrdreg $0xFFFFFFFF  }
0xc2: {  	_ =	task.clear_ibuf [dreg:s8], $0x2FFFF;
	_ =	strace $0x9FFFFFFF  }
0xc3: {  	(tm) =	ssettm $0x7FFFFFFF  }
tec
execute0_lowered:
.L_overlay_start_1:
0x0: {  	(tag) =	ssettag $0x1  }
0x1: {  	s7 =	rddreg [dreg:$0x0]  }
0x2: {  	s8 =	rddreg [dreg:$0x1];
	s2 =	srdreg.scid  }
0x3: {  	s0 =	rddreg [dreg:$0x2];
	s1 =	stileid.u32;
	s9 =	sand.u32 $0x1, s2  }
0x4: {  	s2 =	simm.s32 $0x0;
	s3 =	sshll.u32 s1, $0x6;
	s4 =	sshll.u32 s9, $0x5  }
0x5: {  	[smem:$0x7FF] =	sst s2;
	s10 =	sor.u32 s4, s3  }
0x6: {  	_ =	strace $0x80000047;
	s3 =	simm.s32 $0x1;
	s4 =	sadd.s32 s7, s10  }
0x7: {  	[tilespmem:s2], [sflag:$0x1] =	stream.linear.gather [hbm4b:s4+s2], $0x80, $0x38;
	[tilespmem:$0x100] =	vst v63  }
0x8: {  	_ =	swait.ge [sflag:s3], $0x80  }
0x9: {  	[sflag:s3] =	ssyncset.done $0x0  }
0xa: {  	[sflag:s3] =	ssyncadd.s32 $0xFFFFFF80  }
0xb: {  	v0 =	vld [tilespmem:$0x20]  }
0xc: {  	v3 =	vld [tilespmem:$0x0]  }
0xd: {  	v4 =	vld [tilespmem:$0x10]  }
0xe: {  	v2 =	vlaneseq.u32;
	v5 =	vld [tilespmem:$0x30]  }
0xf: {  	v1 =	vor.u32 $0x20, v2  }
0x10: {  	(xrf1) =	vsort.dscd.msk.f32 $0xffff, v0, v1  }
0x11: {  	v0 =	vor.u32 $0x10, v2;
	(xrf1) =	vsort.dscd.msk.f32 $0xffff, v3, v2  }
0x12: {  	v3 =	vor.u32 $0x30, v2;
	(xrf1) =	vsort.dscd.msk.f32 $0xffff, v4, v0  }
0x13: {  	(xrf1) =	vsort.dscd.msk.f32 $0xffff, v5, v3;
	_ =	sdelay $0x1  }
0x14: {  	v6 =	vimm.s32 $0xBA987654  }
0x15: {  	v7 =	vimm.s32 $0x32100000;
	v8 =	vimm.s32 $0xE4000;
	v9 =	vimm.s32 $0x98765400  }
0x16: {  	v6 =	vunpack.c.l.s4.s8 v6;
	v9 =	vunpack.c.l.s4.s8 v9;
	v5 =	vimm.s32 $0xDCBA9876  }
0x17: {  	v8 =	vunpack.c.l.s2.s4 v8;
	v4 =	vimm.s32 $0x54321000;
	v5 =	vunpack.c.l.s4.s8 v5  }
0x18: {  	v7 =	vunpack.c.l.s4.s8 v7;
	v9 =	vunpack.c.0.s8.s32 v9;
	v4 =	vunpack.c.l.s4.s8 v4  }
0x19: {  	v6 =	vunpack.c.0.s8.s32 v6;
	v8 =	vunpack.c.l.s4.s8 v8;
	v5 =	vunpack.c.0.s8.s32 v5  }
0x1a: {  	v7 =	vunpack.c.0.s8.s32 v7;
	v4 =	vunpack.c.0.s8.s32 v4  }
0x1b: {  	vm0 =	vmmov $0x3;
	v6 =	vand.u32 $0xF, v6;
	v5 =	vand.u32 $0xF, v5  }
0x1c: {  	vm1 =	vcmask $0x720;
	v4 =	vcombine.low v4, v5;
	v5 =	vcombine.low v7, v6  }
0x1d: {  	vm2 =	vcmask $0xF20;
	v6 =	vunpack.c.0.s8.s32 v8;
	v7 =	vand.u32 $0xF, v9;
	v8, v9, _ =	vpop (xrf1)  }
0x1e: {  	vm3 =	vcmask $0x3F28;
	v8 =	vperm.xlane v8, v5;
	v9 =	vperm.xlane v9, v5;
	v10, v11, _ =	vpop (xrf1)  }
0x1f: {  	v6 =	vand.u32 $0x3, v6;
	v10 =	vperm.xlane v10, v2;
	v11 =	vperm.xlane v11, v2;
	v12, v13, _ =	vpop (xrf1)  }
0x20: {  	v6 =	vsel vm3, v7, v6;
	v7 =	vperm.xlane v12, v4;
	v52 =	vperm.xlane v13, v4;
	v53, v14, _ =	vpop (xrf1)  }
0x21: {  	v10 =	vnsel vm0, $0xFF61B1E6, v10;
	v11 =	vnsel vm0, $0x40, v11;
	v14 =	vperm.xlane v14, v6  }
0x22: {  	v7 =	vsel vm1, v10, v7;
	v10 =	vsel vm1, v11, v52;
	v11 =	vperm.xlane v53, v6  }
0x23: {  	vm3 =	vcmask $0x1720;
	v7 =	vsel vm2, v7, v8;
	v8 =	vsel vm2, v10, v9  }
0x24: {  	v7 =	vsel vm3, v7, v11;
	v8 =	vsel vm3, v8, v14  }
0x25: {  	(xrf1) =	vsort.dscd.msk.f32 $0xffff, v7, v8;
	_ =	sdelay $0xd  }
0x26: {  	v7 =	vimm.s32 $0x0;
	v8 =	vimm.s32 $0x1;
	v9, v10, _ =	vpop (xrf1)  }
0x27: {  	v11 =	vperm.xlane v9, v7;
	v9 =	vperm.xlane v9, v8;
	_ =	sdelay $0x1  }
0x28: {  	v9 =	vsub.f32 v9, v11;
	_ =	sdelay $0x1  }
0x29: {  	v9 =	vmul.f32 $1.442695020e+00, v9;
	_ =	sdelay $0x1  }
0x2a: {  	(erf) = vpow2.f32 v9;
	_ =	sdelay $0x8  }
0x2b: {  	v9 =	vpop (erf)  }
0x2c: {  	v11 =	vadd.f32 $1.000000000e+00, v9;
	_ =	sdelay $0x1  }
0x2d: {  	(erf) = vrcp.f32 v11;
	_ =	sdelay $0x8  }
0x2e: {  	v11 =	vperm.xlane v10, v7;
	v10 =	vperm.xlane v10, v8;
	v54 =	vpop (erf)  }
0x2f: {  	v9 =	vmul.f32 v54, v9  }
0x30: {  	vm4 =	veq.s32 v11, v2;
	vm5 =	veq.s32 v11, v1;
	vm6 =	veq.s32 v10, v2  }
0x31: {  	vm7 =	veq.s32 v11, v0;
	vm8 =	veq.s32 v10, v0;
	v55 =	vnsel vm6, $0x0, v9  }
0x32: {  	vm14 =	veq.s32 v10, v1;
	v56 =	vnsel vm8, $0x0, v9;
	v13 =	vsel vm4, v54, v55  }
0x33: {  	vm4 =	veq.s32 v10, v3;
	v10 =	vnsel vm14, $0x0, v9;
	v14 =	vsel vm7, v54, v56;
	[tilespmem:$0x80] =	vst v13  }
0x34: {  	vm15 =	veq.s32 v11, v3;
	v9 =	vnsel vm4, $0x0, v9;
	v10 =	vsel vm5, v54, v10;
	[tilespmem:$0x90] =	vst v14  }
0x35: {  	v9 =	vsel vm15, v54, v9;
	[tilespmem:$0xA0] =	vst v10  }
0x36: {  	s5 =	simm.s32 $0x80;
	s6 =	sadd.s32 s8, s10;
	[tilespmem:$0xB0] =	vst v9  }
0x37: {  	[hbm4b:s6+s2] =	stream.linear.scatter [tilespmem:s5], [sflag:$0x1], $0x80, $0x38;
	[tilespmem:$0x100] =	vst v63  }
0x38: {  	_ =	swait.ge [sflag:s3], $0x80  }
0x39: {  	s10 =	sor.u32 $0x10, s10;
	[sflag:s3] =	ssyncset.done $0x0  }
0x3a: {  	s7 =	sadd.s32 s7, s10;
	[sflag:s3] =	ssyncadd.s32 $0xFFFFFF80  }
0x3b: {  	[tilespmem:s2], [sflag:$0x1] =	stream.linear.gather [hbm4b:s7+s2], $0x80, $0x38;
	[tilespmem:$0x100] =	vst v63  }
0x3c: {  	_ =	swait.ge [sflag:s3], $0x80  }
0x3d: {  	[sflag:s3] =	ssyncset.done $0x0  }
0x3e: {  	[sflag:s3] =	ssyncadd.s32 $0xFFFFFF80  }
0x3f: {  	v9 =	vld [tilespmem:$0x0]  }
0x40: {  	v10 =	vld [tilespmem:$0x10];
	_ =	sdelay $0x1  }
0x41: {  	v11 =	vld [tilespmem:$0x20]  }
0x42: {  	v57 =	vld [tilespmem:$0x30]  }
0x43: {  	(xrf1) =	vsort.dscd.msk.f32 $0xffff, v9, v2  }
0x44: {  	(xrf1) =	vsort.dscd.msk.f32 $0xffff, v10, v0;
	_ =	sdelay $0x1  }
0x45: {  	(xrf1) =	vsort.dscd.msk.f32 $0xffff, v11, v1  }
0x46: {  	(xrf1) =	vsort.dscd.msk.f32 $0xffff, v57, v3;
	_ =	sdelay $0x9  }
0x47: {  	v9, v10, _ =	vpop (xrf1)  }
0x48: {  	v9 =	vperm.xlane v9, v2;
	v10 =	vperm.xlane v10, v2;
	v11, v58, _ =	vpop (xrf1)  }
0x49: {  	v11 =	vperm.xlane v11, v4  }
0x4a: {  	v12 =	vperm.xlane v58, v4;
	v59, v60, _ =	vpop (xrf1);
	v9 =	vnsel vm0, $0xFF61B1E6, v9;
	v10 =	vnsel vm0, $0x40, v10  }
0x4b: {  	v14 =	vperm.xlane v60, v5;
	v15, v16, _ =	vpop (xrf1);
	v9 =	vsel vm1, v9, v11;
	v11 =	vperm.xlane v59, v5  }
0x4c: {  	v10 =	vsel vm1, v10, v12;
	v61 =	vperm.xlane v16, v6;
	v62 =	vperm.xlane v15, v6  }
0x4d: {  	v10 =	vsel vm2, v10, v14;
	v9 =	vsel vm2, v9, v11  }
0x4e: {  	v10 =	vsel vm3, v10, v61;
	v9 =	vsel vm3, v9, v62  }
0x4f: {  	(xrf1) =	vsort.dscd.msk.f32 $0xffff, v9, v10;
	_ =	sdelay $0xd  }
0x50: {  	v9, v10, _ =	vpop (xrf1)  }
0x51: {  	v11 =	vperm.xlane v9, v7;
	v9 =	vperm.xlane v9, v8;
	_ =	sdelay $0x1  }
0x52: {  	v9 =	vsub.f32 v9, v11;
	_ =	sdelay $0x1  }
0x53: {  	v9 =	vmul.f32 $1.442695020e+00, v9;
	_ =	sdelay $0x1  }
0x54: {  	(erf) = vpow2.f32 v9;
	_ =	sdelay $0x2  }
0x55: {  	s9 =	ssub.s32 $0x2, s9  }
0x56: {  	s11 =	sshrl.u32 s9, $0x1  }
0x57: {  	s9 =	ssub.s32 s9, s11  }
0x58: {  	s9 =	smax.u32 s9, $0x1  }
0x59: {  	p0 =	sne.s32 s9, $0x1  }
.Ltmp0:
0x5a: {  	_ = 	snop;
	(pc) =	sbr.rel @!p0 .LBB2_2-.Ltmp0, $4  }
0x5b: {  	v11 =	vpop (erf)  }
0x5c: {  	v63 =	vadd.f32 $1.000000000e+00, v11  }
0x5d: {  	v9 =	vperm.xlane v10, v7  }
0x5e: {  	s8 =	sadd.s32 s8, s10;
	s9 =	sadd.s32 $0xFFFFFFFF, s9;
	v10 =	vperm.xlane v10, v8;
	(erf) = vrcp.f32 v63  }
.LBB2_1:
0x5f: {  	_ =	sdelay $0x4  }
0x60: {  	p0 =	sne.s32 s9, $0x1;
	s9 =	sadd.s32 $0xFFFFFFFF, s9;
	_ =	sdelay $0x2  }
0x61: {  	vm4 =	veq.s32 v9, v2;
	vm5 =	veq.s32 v9, v1;
	vm6 =	veq.s32 v9, v3;
	v12 =	vpop (erf)  }
0x62: {  	vm7 =	veq.s32 v9, v0;
	vm8 =	veq.s32 v10, v3;
	v11 =	vmul.f32 v12, v11  }
0x63: {  	vm9 =	veq.s32 v10, v2;
	vm10 =	veq.s32 v10, v0;
	vm11 =	veq.s32 v10, v1  }
0x64: {  	v9 =	vnsel vm9, $0x0, v11;
	v10 =	vnsel vm10, $0x0, v11;
	v13 =	vnsel vm11, $0x0, v11  }
0x65: {  	v11 =	vnsel vm8, $0x0, v11;
	v9 =	vsel vm4, v12, v9;
	v10 =	vsel vm7, v12, v10  }
0x66: {  	v11 =	vsel vm6, v12, v11;
	[tilespmem:$0x80] =	vst v9;
	v9 =	vsel vm5, v12, v13  }
0x67: {  	[tilespmem:$0xB0] =	vst v11  }
0x68: {  	[tilespmem:$0xA0] =	vst v9  }
0x69: {  	[tilespmem:$0x90] =	vst v10  }
0x6a: {  	[hbm4b:s8+s2] =	stream.linear.scatter [tilespmem:s5], [sflag:$0x1], $0x80, $0x38;
	[tilespmem:$0x100] =	vst v63  }
0x6b: {  	_ =	swait.ge [sflag:s3], $0x80  }
0x6c: {  	[sflag:s3] =	ssyncset.done $0x0  }
0x6d: {  	[sflag:s3] =	ssyncadd.s32 $0xFFFFFF80  }
0x6e: {  	[tilespmem:s2], [sflag:$0x1] =	stream.linear.gather [hbm4b:s4+s2], $0x80, $0x38;
	[tilespmem:$0x100] =	vst v63  }
0x6f: {  	_ =	swait.ge [sflag:s3], $0x80  }
0x70: {  	[sflag:s3] =	ssyncset.done $0x0  }
0x71: {  	[sflag:s3] =	ssyncadd.s32 $0xFFFFFF80  }
0x72: {  	v9 =	vld [tilespmem:$0x20]  }
0x73: {  	v10 =	vld [tilespmem:$0x0]  }
0x74: {  	v11 =	vld [tilespmem:$0x10]  }
0x75: {  	v12 =	vld [tilespmem:$0x30];
	_ =	sdelay $0x1  }
0x76: {  	(xrf1) =	vsort.dscd.msk.f32 $0xffff, v9, v1  }
0x77: {  	(xrf1) =	vsort.dscd.msk.f32 $0xffff, v10, v2  }
0x78: {  	(xrf1) =	vsort.dscd.msk.f32 $0xffff, v11, v0  }
0x79: {  	(xrf1) =	vsort.dscd.msk.f32 $0xffff, v12, v3;
	_ =	sdelay $0xa  }
0x7a: {  	v9, v10, _ =	vpop (xrf1)  }
0x7b: {  	v9 =	vperm.xlane v9, v5;
	v10 =	vperm.xlane v10, v5;
	v11, v12, _ =	vpop (xrf1)  }
0x7c: {  	v11 =	vperm.xlane v11, v2;
	v12 =	vperm.xlane v12, v2;
	v13, v14, _ =	vpop (xrf1)  }
0x7d: {  	v13 =	vperm.xlane v13, v4;
	v14 =	vperm.xlane v14, v4;
	v15, v16, _ =	vpop (xrf1)  }
0x7e: {  	v11 =	vnsel vm0, $0xFF61B1E6, v11;
	v12 =	vnsel vm0, $0x40, v12;
	v16 =	vperm.xlane v16, v6  }
0x7f: {  	v11 =	vsel vm1, v11, v13;
	v12 =	vsel vm1, v12, v14;
	v13 =	vperm.xlane v15, v6  }
0x80: {  	v9 =	vsel vm2, v11, v9;
	v10 =	vsel vm2, v12, v10  }
0x81: {  	v9 =	vsel vm3, v9, v13;
	v10 =	vsel vm3, v10, v16  }
0x82: {  	(xrf1) =	vsort.dscd.msk.f32 $0xffff, v9, v10;
	_ =	sdelay $0xd  }
0x83: {  	v9, v10, _ =	vpop (xrf1)  }
0x84: {  	v11 =	vperm.xlane v9, v7;
	v9 =	vperm.xlane v9, v8  }
0x85: {  	v12 =	vperm.xlane v10, v7;
	v10 =	vperm.xlane v10, v8  }
0x86: {  	v9 =	vsub.f32 v9, v11;
	_ =	sdelay $0x1  }
0x87: {  	v9 =	vmul.f32 $1.442695020e+00, v9;
	_ =	sdelay $0x1  }
0x88: {  	(erf) = vpow2.f32 v9;
	_ =	sdelay $0x8  }
0x89: {  	v9 =	vpop (erf)  }
0x8a: {  	v11 =	vadd.f32 $1.000000000e+00, v9;
	_ =	sdelay $0x1  }
0x8b: {  	(erf) = vrcp.f32 v11;
	_ =	sdelay $0x8  }
0x8c: {  	vm4 =	veq.s32 v12, v2;
	vm5 =	veq.s32 v12, v1;
	vm6 =	veq.s32 v12, v3;
	v11 =	vpop (erf)  }
0x8d: {  	vm7 =	veq.s32 v12, v0;
	vm8 =	veq.s32 v10, v3;
	v9 =	vmul.f32 v11, v9  }
0x8e: {  	vm9 =	veq.s32 v10, v2;
	vm10 =	veq.s32 v10, v0;
	vm11 =	veq.s32 v10, v1  }
0x8f: {  	v10 =	vnsel vm9, $0x0, v9;
	v12 =	vnsel vm10, $0x0, v9;
	v13 =	vnsel vm11, $0x0, v9  }
0x90: {  	v9 =	vnsel vm8, $0x0, v9;
	v10 =	vsel vm4, v11, v10;
	v12 =	vsel vm7, v11, v12  }
0x91: {  	v9 =	vsel vm6, v11, v9;
	[tilespmem:$0x80] =	vst v10;
	v10 =	vsel vm5, v11, v13  }
0x92: {  	[tilespmem:$0x90] =	vst v12  }
0x93: {  	[tilespmem:$0xA0] =	vst v10  }
0x94: {  	[tilespmem:$0xB0] =	vst v9  }
0x95: {  	[hbm4b:s6+s2] =	stream.linear.scatter [tilespmem:s5], [sflag:$0x1], $0x80, $0x38;
	[tilespmem:$0x100] =	vst v63  }
0x96: {  	_ =	swait.ge [sflag:s3], $0x80  }
0x97: {  	[sflag:s3] =	ssyncset.done $0x0  }
0x98: {  	[sflag:s3] =	ssyncadd.s32 $0xFFFFFF80  }
0x99: {  	[tilespmem:s2], [sflag:$0x1] =	stream.linear.gather [hbm4b:s7+s2], $0x80, $0x38;
	[tilespmem:$0x100] =	vst v63  }
0x9a: {  	_ =	swait.ge [sflag:s3], $0x80  }
0x9b: {  	[sflag:s3] =	ssyncset.done $0x0  }
0x9c: {  	[sflag:s3] =	ssyncadd.s32 $0xFFFFFF80  }
0x9d: {  	v9 =	vld [tilespmem:$0x0]  }
0x9e: {  	v10 =	vld [tilespmem:$0x10]  }
0x9f: {  	v11 =	vld [tilespmem:$0x20]  }
0xa0: {  	v12 =	vld [tilespmem:$0x30];
	_ =	sdelay $0x1  }
0xa1: {  	(xrf1) =	vsort.dscd.msk.f32 $0xffff, v9, v2  }
0xa2: {  	(xrf1) =	vsort.dscd.msk.f32 $0xffff, v10, v0  }
0xa3: {  	(xrf1) =	vsort.dscd.msk.f32 $0xffff, v11, v1  }
0xa4: {  	(xrf1) =	vsort.dscd.msk.f32 $0xffff, v12, v3;
	_ =	sdelay $0xa  }
0xa5: {  	v9, v10, _ =	vpop (xrf1)  }
0xa6: {  	v9 =	vperm.xlane v9, v2;
	v10 =	vperm.xlane v10, v2;
	v11, v12, _ =	vpop (xrf1)  }
0xa7: {  	v11 =	vperm.xlane v11, v4;
	v12 =	vperm.xlane v12, v4;
	v13, v14, _ =	vpop (xrf1)  }
0xa8: {  	v9 =	vnsel vm0, $0xFF61B1E6, v9;
	v10 =	vnsel vm0, $0x40, v10;
	v14 =	vperm.xlane v14, v5;
	v15, v16, _ =	vpop (xrf1)  }
0xa9: {  	v9 =	vsel vm1, v9, v11;
	v10 =	vsel vm1, v10, v12;
	v11 =	vperm.xlane v16, v6  }
0xaa: {  	v12 =	vperm.xlane v13, v5;
	v10 =	vsel vm2, v10, v14  }
0xab: {  	v13 =	vperm.xlane v15, v6;
	v10 =	vsel vm3, v10, v11  }
0xac: {  	v9 =	vsel vm2, v9, v12  }
0xad: {  	v9 =	vsel vm3, v9, v13  }
0xae: {  	(xrf1) =	vsort.dscd.msk.f32 $0xffff, v9, v10;
	_ =	sdelay $0xd  }
0xaf: {  	v9, v10, _ =	vpop (xrf1)  }
0xb0: {  	v11 =	vperm.xlane v9, v7;
	v12 =	vperm.xlane v9, v8  }
0xb1: {  	v9 =	vperm.xlane v10, v7;
	v10 =	vperm.xlane v10, v8  }
0xb2: {  	v11 =	vsub.f32 v12, v11;
	_ =	sdelay $0x1  }
0xb3: {  	v11 =	vmul.f32 $1.442695020e+00, v11;
	_ =	sdelay $0x1  }
0xb4: {  	(erf) = vpow2.f32 v11;
	_ =	sdelay $0x7  }
.Ltmp1:
0xb5: {  	(pc) =	sbr.rel @p0 .LBB2_1-.Ltmp1, $3  }
0xb6: {  	v11 =	vpop (erf)  }
0xb7: {  	v12 =	vadd.f32 $1.000000000e+00, v11;
	_ =	sdelay $0x1  }
0xb8: {  	(erf) = vrcp.f32 v12  }
.LBB2_2:
0xb9: {  	_ =	sdelay $0x7  }
0xba: {  	v4 =	vpop (erf)  }
0xbb: {  	v5 =	vmul.f32 v4, v11  }
0xbc: {  	vm0 =	veq.s32 v9, v2;
	vm1 =	veq.s32 v9, v1;
	vm2 =	veq.s32 v10, v2  }
0xbd: {  	vm3 =	veq.s32 v9, v3;
	vm4 =	veq.s32 v10, v3;
	v2 =	vnsel vm2, $0x0, v5  }
0xbe: {  	vm13 =	veq.s32 v10, v1;
	v59 =	vnsel vm4, $0x0, v5;
	v58 =	vsel vm0, v4, v2  }
0xbf: {  	vm14 =	veq.s32 v10, v0;
	v60 =	vnsel vm13, $0x0, v5;
	v61 =	vsel vm3, v4, v59;
	[tilespmem:$0x80] =	vst v58  }
0xc0: {  	vm15 =	veq.s32 v9, v0;
	v62 =	vnsel vm14, $0x0, v5;
	v63 =	vsel vm1, v4, v60;
	[tilespmem:$0xB0] =	vst v61  }
0xc1: {  	v0 =	vsel vm15, v4, v62;
	[tilespmem:$0xA0] =	vst v63  }
0xc2: {  	[tilespmem:$0x90] =	vst v0  }
0xc3: {  	[hbm4b:s8+s2] =	stream.linear.scatter [tilespmem:s5], [sflag:$0x1], $0x80, $0x38;
	[tilespmem:$0x100] =	vst v63  }
0xc4: {  	_ =	swait.ge [sflag:s3], $0x80  }
0xc5: {  	[sflag:s3] =	ssyncset.done $0x0  }
0xc6: {  	[sflag:s3] =	ssyncadd.s32 $0xFFFFFF80  }
0xc7: {  	_ =	sfence.sel $0x180000  }
0xc8: {  	[bflag:$0x0] =	sbarrier.arrive $0xFFFF  }
0xc9: {  	p0 =	sne.s32 s1, $0x0;
	_ =	strace $0x90000047  }
0xca: {  	s0 =	sadd.s32 @!p0 $0x100000, s0;
	[bflag:$0x2] =	sbarrier.arrive $0xFFFF  }
0xcb: {  	[sflag:s0] =	ssyncadd.tile.s32 @!p0 $0x1;
	_ =	shalt  }
.Lfunc_end2:
_tile_overlayer_lowered:
.L_overlay_start_2:
0xcc: {  	(tag) =	ssettag $0x2  }
0xcd: {  	s0 =	rddreg [dreg:$0x0];
	s2 =	stileid.u32  }
0xce: {  	s1 =	rddreg [dreg:$0x1];
	p0 =	sne.s32 s2, $0x0  }
0xcf: {  	s3 =	rddreg [dreg:$0x2];
	[bflag:$0x3] =	sbarrier.arrive $0xFFFF;
	s2 =	simm.s32 @!p0 $0x1C01  }
0xd0: {  	[timem:s3], [sflag:s2] =	dma.local @!p0 [hbm:s0], s1  }
0xd1: {  	s0 =	simm.s32 @!p0 $0x1  }
0xd2: {  	_ =	swait.ge @!p0 [sflag:s0], s1  }
0xd3: {  	s1 =	ssub.s32 @!p0 $0x0, s1;
	[sflag:s0] =	ssyncset.done @!p0 $0x0  }
0xd4: {  	[sflag:s0] =	ssyncadd.s32 @!p0 s1  }
0xd5: {  	[bflag:$0x3] =	sbarrier.arrive $0xFFFF  }
0xd6: {  	_ =	shalt  }

</sc_bundles>
